<compile_context>
chip_gen: v7x
topology: tpu7x:2x2x1
jax: 0.10.2.dev20260603
libtpu: 0.0.44.dev20260713+nightly
codegen_flags: <defaults>
</compile_context>

<pallas_src>
import functools

import jax
import jax.numpy as jnp
from jax import lax
from jax.experimental import pallas as pl
from jax.experimental.pallas import tpu as pltpu
from jax.experimental.pallas import tpu_sc as plsc

_NC = 2
_NS = 16
_NW = _NC * _NS
_GC = 16
_SC_ROWS = 64
_GPS = _SC_ROWS // _GC


@jax.jit
def _embed(tokens, W_E):
    b, s = tokens.shape
    B = b * s
    D = W_E.shape[1]
    b_per_w = B // _NW
    n_groups = b_per_w // _SC_ROWS
    w_per_b = _NW // b
    mesh = plsc.VectorSubcoreMesh(core_axis_name="c", subcore_axis_name="s")

    @functools.partial(
        pl.kernel,
        out_type=jax.ShapeDtypeStruct((B, D), jnp.float32),
        mesh=mesh,
        scratch_types=[
            pltpu.VMEM((b_per_w,), jnp.int32),
            pltpu.VMEM((2, _SC_ROWS, D), jnp.float32),
            pltpu.SemaphoreType.DMA,
            pltpu.SemaphoreType.DMA,
            pltpu.SemaphoreType.DMA,
        ],
    )
    def k(idx_hbm, table_hbm, out_hbm, idx_v, rows_v, isem, gsem, ssem):
        wid = lax.axis_index("s") * _NC + lax.axis_index("c")
        base = wid * b_per_w
        col0 = (wid % w_per_b) * b_per_w
        brow = wid // w_per_b
        half = b_per_w // 2
        pltpu.async_copy(
            idx_hbm.at[brow, pl.ds(col0, half)],
            idx_v.at[pl.ds(0, half)], isem).wait()

        def issue_group(g):
            buf = g % 2
            return [
                pltpu.async_copy(
                    table_hbm.at[
                        idx_v.at[pl.ds(g * _SC_ROWS + j * _GC, _GC)]],
                    rows_v.at[buf, pl.ds(j * _GC, _GC)], gsem)
                for j in range(_GPS)
            ]

        gh = [None] * n_groups
        sh = [None] * n_groups
        gh[0] = issue_group(0)
        pltpu.async_copy(
            idx_hbm.at[brow, pl.ds(col0 + half, half)],
            idx_v.at[pl.ds(half, half)], isem).wait()
        for g in range(1, n_groups + 1):
            if g < n_groups:
                if g >= 2:
                    sh[g - 2].wait()
                gh[g] = issue_group(g)
            for h in gh[g - 1]:
                h.wait()
            sh[g - 1] = pltpu.async_copy(
                rows_v.at[(g - 1) % 2],
                out_hbm.at[pl.ds(base + (g - 1) * _SC_ROWS, _SC_ROWS)],
                ssem)
        if n_groups >= 2:
            sh[n_groups - 2].wait()
        sh[n_groups - 1].wait()

    return k(tokens, W_E)


def kernel(tokens, W_E):
    b, s = tokens.shape
    out = _embed(tokens.astype(jnp.int32), W_E)
    return out.reshape(b, s, W_E.shape[1])

# --- scband reference (transcript-rebuilt; emitter-appended) ---
"""Pipeline reference for scband-embed-26173530702415 (READ-ONLY COPY).

The authoritative reference and input builder live on the scoring server;
editing this copy changes nothing except your own understanding.
"""

import jax, jax.numpy as jnp
import numpy as np

D_VOCAB = 50257
D_MODEL = 768
BATCH = 4
SEQ = 2048

def setup_inputs(seed: int = 0) -> dict:
    key = jax.random.key(seed)
    k_tok, k_w = jax.random.split(key)
    tokens = jax.random.randint(k_tok, (BATCH, SEQ), 0, D_VOCAB, dtype=jnp.int64 if jax.config.jax_enable_x64 else jnp.int32)
    W_E = jax.random.normal(k_w, (D_VOCAB, D_MODEL), dtype=jnp.float32) * 0.02
    return {"tokens": tokens, "W_E": W_E}

def reference(tokens, W_E):
    # Embed.forward: return self.W_E[tokens]
    return jnp.take(W_E, tokens, axis=0)

if __name__ == "__main__":
    import jax
    _d = setup_inputs()
    print(jax.jit(kernel)(*tuple(_d.values())))

</pallas_src>

<mosaic_0001>
#map = affine_map<(d0, d1) -> (0, 0)>
module attributes {stable_mosaic.version = 14 : i64} {
  func.func @k(%arg0: i32, %arg1: i32, %arg2: memref<4x2048xi32, #tpu.memory_space<hbm>>, %arg3: memref<50257x768xf32, #tpu.memory_space<hbm>>, %arg4: memref<8192x768xf32, #tpu.memory_space<hbm>>, %arg5: memref<256xi32, #tpu.memory_space<vmem>>, %arg6: memref<2x64x768xf32, #tpu.memory_space<vmem>>, %arg7: memref<!tpu.dma_semaphore, #tpu.memory_space<semaphore_mem>>, %arg8: memref<!tpu.dma_semaphore, #tpu.memory_space<semaphore_mem>>, %arg9: memref<!tpu.dma_semaphore, #tpu.memory_space<semaphore_mem>>) attributes {dimension_semantics = [#tpu.dimension_semantics<core_parallel>, #tpu.dimension_semantics<subcore_parallel>], iteration_bounds = array<i64: 2, 16>, scalar_prefetch = 0 : i64, scratch_operands = 5 : i64, tpu.core_type = #tpu.core_type<sc_vector_subcore>, window_params = [{transform_indices = #map}, {transform_indices = #map}, {transform_indices = #map}]} {
    %mul3A = arith.constant 2 : i32
    %mul3A_0 = arith.muli %arg1, %mul3A : i32
    %add3A = arith.addi %mul3A_0, %arg0 : i32
    %mul3A_1 = arith.constant 256 : i32
    %mul3A_2 = arith.muli %add3A, %mul3A_1 : i32
    %jit3A = arith.constant 8 : i32
    %eq3A = arith.constant 0 : i32
    %eq3A_3 = arith.cmpi eq, %jit3A, %eq3A : i32
    %jit3A_4 = arith.constant 1 : i32
    %select_n3A = arith.select %eq3A_3, %jit3A_4, %jit3A : i32
    %rem3A = arith.remsi %add3A, %select_n3A : i32
    %ne3A = arith.constant 0 : i32
    %ne3A_5 = arith.cmpi ne, %rem3A, %ne3A : i32
    %lt3A = arith.constant 0 : i32
    %lt3A_6 = arith.cmpi slt, %rem3A, %lt3A : i32
    %lt3A_7 = arith.constant 0 : i32
    %lt3A_8 = arith.cmpi slt, %select_n3A, %lt3A_7 : i32
    %ne3A_9 = arith.xori %lt3A_6, %lt3A_8 : i1
    %and3A = arith.andi %ne3A_9, %ne3A_5 : i1
    %add3A_10 = arith.addi %rem3A, %select_n3A : i32
    %select_n3A_11 = arith.select %and3A, %add3A_10, %rem3A : i32
    %mul3A_12 = arith.constant 256 : i32
    %mul3A_13 = arith.muli %select_n3A_11, %mul3A_12 : i32
    %jit3A_14 = arith.constant 8 : i32
    %div3A = arith.divsi %add3A, %jit3A_14 : i32
    %sign3A = arith.constant 0 : i32
    %sign3A_15 = arith.cmpi sgt, %add3A, %sign3A : i32
    %sign3A_16 = arith.extui %sign3A_15 : i1 to i32
    %sign3A_17 = arith.constant 0 : i32
    %sign3A_18 = arith.cmpi slt, %add3A, %sign3A_17 : i32
    %sign3A_19 = arith.extui %sign3A_18 : i1 to i32
    %sign3A_20 = arith.subi %sign3A_16, %sign3A_19 : i32
    %sign3A_21 = arith.constant 0 : i32
    %sign3A_22 = arith.cmpi sgt, %jit3A_14, %sign3A_21 : i32
    %sign3A_23 = arith.extui %sign3A_22 : i1 to i32
    %sign3A_24 = arith.constant 0 : i32
    %sign3A_25 = arith.cmpi slt, %jit3A_14, %sign3A_24 : i32
    %sign3A_26 = arith.extui %sign3A_25 : i1 to i32
    %sign3A_27 = arith.subi %sign3A_23, %sign3A_26 : i32
    %ne3A_28 = arith.cmpi ne, %sign3A_20, %sign3A_27 : i32
    %rem3A_29 = arith.remsi %add3A, %jit3A_14 : i32
    %ne3A_30 = arith.constant 0 : i32
    %ne3A_31 = arith.cmpi ne, %rem3A_29, %ne3A_30 : i32
    %and3A_32 = arith.andi %ne3A_28, %ne3A_31 : i1
    %sub3A = arith.constant 1 : i32
    %sub3A_33 = arith.subi %div3A, %sub3A : i32
    %select_n3A_34 = arith.select %and3A_32, %sub3A_33, %div3A : i32
    %dma_start3A = arith.constant 0 : i32
    %dma_start3A_35 = tpu.memref_slice %arg5[%dma_start3A] : memref<256xi32, #tpu.memory_space<vmem>> -> memref<128xi32, #tpu.memory_space<vmem>>
    %dma_start3A_36 = tpu.memref_slice %arg2[%select_n3A_34, %mul3A_13] : memref<4x2048xi32, #tpu.memory_space<hbm>> -> memref<1x128xi32, #tpu.memory_space<hbm>>
    %dma_start3A_37 = tpu.memref_squeeze %dma_start3A_36 : memref<1x128xi32, #tpu.memory_space<hbm>> -> memref<128xi32, #tpu.memory_space<hbm>>
    %dma_start3A_38 = arith.constant 0 : i32
    %dma_start3A_39 = tpu.memref_slice %arg5[%dma_start3A_38] : memref<256xi32, #tpu.memory_space<vmem>> -> memref<128xi32, #tpu.memory_space<vmem>>
    %dma_start3A_40 = tpu.memref_slice %arg2[%select_n3A_34, %mul3A_13] : memref<4x2048xi32, #tpu.memory_space<hbm>> -> memref<1x128xi32, #tpu.memory_space<hbm>>
    %dma_start3A_41 = tpu.memref_squeeze %dma_start3A_40 : memref<1x128xi32, #tpu.memory_space<hbm>> -> memref<128xi32, #tpu.memory_space<hbm>>
    tpu.enqueue_dma source(%dma_start3A_41 : memref<128xi32, #tpu.memory_space<hbm>>) target(%dma_start3A_39 : memref<128xi32, #tpu.memory_space<vmem>>) target_semaphore(%arg7 : memref<!tpu.dma_semaphore, #tpu.memory_space<semaphore_mem>>)
    %dma_wait3A = arith.constant 0 : i32
    %dma_wait3A_42 = tpu.memref_slice %arg5[%dma_wait3A] : memref<256xi32, #tpu.memory_space<vmem>> -> memref<128xi32, #tpu.memory_space<vmem>>
    %dma_wait3A_43 = tpu.memref_slice %arg2[%select_n3A_34, %mul3A_13] : memref<4x2048xi32, #tpu.memory_space<hbm>> -> memref<1x128xi32, #tpu.memory_space<hbm>>
    %dma_wait3A_44 = tpu.memref_squeeze %dma_wait3A_43 : memref<1x128xi32, #tpu.memory_space<hbm>> -> memref<128xi32, #tpu.memory_space<hbm>>
    %dma_wait3A_45 = arith.constant 0 : i32
    %dma_wait3A_46 = tpu.memref_slice %arg5[%dma_wait3A_45] : memref<256xi32, #tpu.memory_space<vmem>> -> memref<128xi32, #tpu.memory_space<vmem>>
    %dma_wait3A_47 = tpu.memref_slice %arg2[%select_n3A_34, %mul3A_13] : memref<4x2048xi32, #tpu.memory_space<hbm>> -> memref<1x128xi32, #tpu.memory_space<hbm>>
    %dma_wait3A_48 = tpu.memref_squeeze %dma_wait3A_47 : memref<1x128xi32, #tpu.memory_space<hbm>> -> memref<128xi32, #tpu.memory_space<hbm>>
    tpu.wait_dma2 semaphore(%arg7 : memref<!tpu.dma_semaphore, #tpu.memory_space<semaphore_mem>>) src(%dma_wait3A_48 : memref<128xi32, #tpu.memory_space<hbm>>) dst(%dma_wait3A_46 : memref<128xi32, #tpu.memory_space<vmem>>)
    %dma_start3A_49 = arith.constant 0 : i32
    %dma_start3A_50 = arith.constant 0 : i32
    %dma_start3A_51 = arith.constant 0 : i32
    %dma_start3A_52 = tpu.memref_slice %arg6[%dma_start3A_49, %dma_start3A_50, %dma_start3A_51] : memref<2x64x768xf32, #tpu.memory_space<vmem>> -> memref<1x16x768xf32, #tpu.memory_space<vmem>>
    %dma_start3A_53 = tpu.memref_squeeze %dma_start3A_52 : memref<1x16x768xf32, #tpu.memory_space<vmem>> -> memref<16x768xf32, #tpu.memory_space<vmem>>
    %dma_start3A_54 = arith.constant 0 : i32
    %dma_start3A_55 = tpu.memref_slice %arg5[%dma_start3A_54] : memref<256xi32, #tpu.memory_space<vmem>> -> memref<16xi32, #tpu.memory_space<vmem>>
    %dma_start3A_56 = arith.constant 0 : i32
    %dma_start3A_57 = arith.constant 0 : i32
    %dma_start3A_58 = tpu.memref_slice %arg3[%dma_start3A_56, %dma_start3A_57] : memref<50257x768xf32, #tpu.memory_space<hbm>> -> memref<50257x768xf32, #tpu.memory_space<hbm>>
    tpu.enqueue_indirect_dma source(%dma_start3A_58 : memref<50257x768xf32, #tpu.memory_space<hbm>>) target(%dma_start3A_53 : memref<16x768xf32, #tpu.memory_space<vmem>>) offsets(%dma_start3A_55 : memref<16xi32, #tpu.memory_space<vmem>>) semaphore(%arg8 : memref<!tpu.dma_semaphore, #tpu.memory_space<semaphore_mem>>)
    %dma_start3A_59 = arith.constant 0 : i32
    %dma_start3A_60 = arith.constant 16 : i32
    %dma_start3A_61 = arith.constant 0 : i32
    %dma_start3A_62 = tpu.memref_slice %arg6[%dma_start3A_59, %dma_start3A_60, %dma_start3A_61] : memref<2x64x768xf32, #tpu.memory_space<vmem>> -> memref<1x16x768xf32, #tpu.memory_space<vmem>>
    %dma_start3A_63 = tpu.memref_squeeze %dma_start3A_62 : memref<1x16x768xf32, #tpu.memory_space<vmem>> -> memref<16x768xf32, #tpu.memory_space<vmem>>
    %dma_start3A_64 = arith.constant 16 : i32
    %dma_start3A_65 = tpu.memref_slice %arg5[%dma_start3A_64] : memref<256xi32, #tpu.memory_space<vmem>> -> memref<16xi32, #tpu.memory_space<vmem>>
    %dma_start3A_66 = arith.constant 0 : i32
    %dma_start3A_67 = arith.constant 0 : i32
    %dma_start3A_68 = tpu.memref_slice %arg3[%dma_start3A_66, %dma_start3A_67] : memref<50257x768xf32, #tpu.memory_space<hbm>> -> memref<50257x768xf32, #tpu.memory_space<hbm>>
    tpu.enqueue_indirect_dma source(%dma_start3A_68 : memref<50257x768xf32, #tpu.memory_space<hbm>>) target(%dma_start3A_63 : memref<16x768xf32, #tpu.memory_space<vmem>>) offsets(%dma_start3A_65 : memref<16xi32, #tpu.memory_space<vmem>>) semaphore(%arg8 : memref<!tpu.dma_semaphore, #tpu.memory_space<semaphore_mem>>)
    %dma_start3A_69 = arith.constant 0 : i32
    %dma_start3A_70 = arith.constant 32 : i32
    %dma_start3A_71 = arith.constant 0 : i32
    %dma_start3A_72 = tpu.memref_slice %arg6[%dma_start3A_69, %dma_start3A_70, %dma_start3A_71] : memref<2x64x768xf32, #tpu.memory_space<vmem>> -> memref<1x16x768xf32, #tpu.memory_space<vmem>>
    %dma_start3A_73 = tpu.memref_squeeze %dma_start3A_72 : memref<1x16x768xf32, #tpu.memory_space<vmem>> -> memref<16x768xf32, #tpu.memory_space<vmem>>
    %dma_start3A_74 = arith.constant 32 : i32
    %dma_start3A_75 = tpu.memref_slice %arg5[%dma_start3A_74] : memref<256xi32, #tpu.memory_space<vmem>> -> memref<16xi32, #tpu.memory_space<vmem>>
    %dma_start3A_76 = arith.constant 0 : i32
    %dma_start3A_77 = arith.constant 0 : i32
    %dma_start3A_78 = tpu.memref_slice %arg3[%dma_start3A_76, %dma_start3A_77] : memref<50257x768xf32, #tpu.memory_space<hbm>> -> memref<50257x768xf32, #tpu.memory_space<hbm>>
    tpu.enqueue_indirect_dma source(%dma_start3A_78 : memref<50257x768xf32, #tpu.memory_space<hbm>>) target(%dma_start3A_73 : memref<16x768xf32, #tpu.memory_space<vmem>>) offsets(%dma_start3A_75 : memref<16xi32, #tpu.memory_space<vmem>>) semaphore(%arg8 : memref<!tpu.dma_semaphore, #tpu.memory_space<semaphore_mem>>)
    %dma_start3A_79 = arith.constant 0 : i32
    %dma_start3A_80 = arith.constant 48 : i32
    %dma_start3A_81 = arith.constant 0 : i32
    %dma_start3A_82 = tpu.memref_slice %arg6[%dma_start3A_79, %dma_start3A_80, %dma_start3A_81] : memref<2x64x768xf32, #tpu.memory_space<vmem>> -> memref<1x16x768xf32, #tpu.memory_space<vmem>>
    %dma_start3A_83 = tpu.memref_squeeze %dma_start3A_82 : memref<1x16x768xf32, #tpu.memory_space<vmem>> -> memref<16x768xf32, #tpu.memory_space<vmem>>
    %dma_start3A_84 = arith.constant 48 : i32
    %dma_start3A_85 = tpu.memref_slice %arg5[%dma_start3A_84] : memref<256xi32, #tpu.memory_space<vmem>> -> memref<16xi32, #tpu.memory_space<vmem>>
    %dma_start3A_86 = arith.constant 0 : i32
    %dma_start3A_87 = arith.constant 0 : i32
    %dma_start3A_88 = tpu.memref_slice %arg3[%dma_start3A_86, %dma_start3A_87] : memref<50257x768xf32, #tpu.memory_space<hbm>> -> memref<50257x768xf32, #tpu.memory_space<hbm>>
    tpu.enqueue_indirect_dma source(%dma_start3A_88 : memref<50257x768xf32, #tpu.memory_space<hbm>>) target(%dma_start3A_83 : memref<16x768xf32, #tpu.memory_space<vmem>>) offsets(%dma_start3A_85 : memref<16xi32, #tpu.memory_space<vmem>>) semaphore(%arg8 : memref<!tpu.dma_semaphore, #tpu.memory_space<semaphore_mem>>)
    %add3A_89 = arith.constant 128 : i32
    %add3A_90 = arith.addi %mul3A_13, %add3A_89 : i32
    %dma_start3A_91 = arith.constant 128 : i32
    %dma_start3A_92 = tpu.memref_slice %arg5[%dma_start3A_91] : memref<256xi32, #tpu.memory_space<vmem>> -> memref<128xi32, #tpu.memory_space<vmem>>
    %dma_start3A_93 = tpu.memref_slice %arg2[%select_n3A_34, %add3A_90] : memref<4x2048xi32, #tpu.memory_space<hbm>> -> memref<1x128xi32, #tpu.memory_space<hbm>>
    %dma_start3A_94 = tpu.memref_squeeze %dma_start3A_93 : memref<1x128xi32, #tpu.memory_space<hbm>> -> memref<128xi32, #tpu.memory_space<hbm>>
    %dma_start3A_95 = arith.constant 128 : i32
    %dma_start3A_96 = tpu.memref_slice %arg5[%dma_start3A_95] : memref<256xi32, #tpu.memory_space<vmem>> -> memref<128xi32, #tpu.memory_space<vmem>>
    %dma_start3A_97 = tpu.memref_slice %arg2[%select_n3A_34, %add3A_90] : memref<4x2048xi32, #tpu.memory_space<hbm>> -> memref<1x128xi32, #tpu.memory_space<hbm>>
    %dma_start3A_98 = tpu.memref_squeeze %dma_start3A_97 : memref<1x128xi32, #tpu.memory_space<hbm>> -> memref<128xi32, #tpu.memory_space<hbm>>
    tpu.enqueue_dma source(%dma_start3A_98 : memref<128xi32, #tpu.memory_space<hbm>>) target(%dma_start3A_96 : memref<128xi32, #tpu.memory_space<vmem>>) target_semaphore(%arg7 : memref<!tpu.dma_semaphore, #tpu.memory_space<semaphore_mem>>)
    %dma_wait3A_99 = arith.constant 128 : i32
    %dma_wait3A_100 = tpu.memref_slice %arg5[%dma_wait3A_99] : memref<256xi32, #tpu.memory_space<vmem>> -> memref<128xi32, #tpu.memory_space<vmem>>
    %dma_wait3A_101 = tpu.memref_slice %arg2[%select_n3A_34, %add3A_90] : memref<4x2048xi32, #tpu.memory_space<hbm>> -> memref<1x128xi32, #tpu.memory_space<hbm>>
    %dma_wait3A_102 = tpu.memref_squeeze %dma_wait3A_101 : memref<1x128xi32, #tpu.memory_space<hbm>> -> memref<128xi32, #tpu.memory_space<hbm>>
    %dma_wait3A_103 = arith.constant 128 : i32
    %dma_wait3A_104 = tpu.memref_slice %arg5[%dma_wait3A_103] : memref<256xi32, #tpu.memory_space<vmem>> -> memref<128xi32, #tpu.memory_space<vmem>>
    %dma_wait3A_105 = tpu.memref_slice %arg2[%select_n3A_34, %add3A_90] : memref<4x2048xi32, #tpu.memory_space<hbm>> -> memref<1x128xi32, #tpu.memory_space<hbm>>
    %dma_wait3A_106 = tpu.memref_squeeze %dma_wait3A_105 : memref<1x128xi32, #tpu.memory_space<hbm>> -> memref<128xi32, #tpu.memory_space<hbm>>
    tpu.wait_dma2 semaphore(%arg7 : memref<!tpu.dma_semaphore, #tpu.memory_space<semaphore_mem>>) src(%dma_wait3A_106 : memref<128xi32, #tpu.memory_space<hbm>>) dst(%dma_wait3A_104 : memref<128xi32, #tpu.memory_space<vmem>>)
    %dma_start3A_107 = arith.constant 1 : i32
    %dma_start3A_108 = arith.constant 0 : i32
    %dma_start3A_109 = arith.constant 0 : i32
    %dma_start3A_110 = tpu.memref_slice %arg6[%dma_start3A_107, %dma_start3A_108, %dma_start3A_109] : memref<2x64x768xf32, #tpu.memory_space<vmem>> -> memref<1x16x768xf32, #tpu.memory_space<vmem>>
    %dma_start3A_111 = tpu.memref_squeeze %dma_start3A_110 : memref<1x16x768xf32, #tpu.memory_space<vmem>> -> memref<16x768xf32, #tpu.memory_space<vmem>>
    %dma_start3A_112 = arith.constant 64 : i32
    %dma_start3A_113 = tpu.memref_slice %arg5[%dma_start3A_112] : memref<256xi32, #tpu.memory_space<vmem>> -> memref<16xi32, #tpu.memory_space<vmem>>
    %dma_start3A_114 = arith.constant 0 : i32
    %dma_start3A_115 = arith.constant 0 : i32
    %dma_start3A_116 = tpu.memref_slice %arg3[%dma_start3A_114, %dma_start3A_115] : memref<50257x768xf32, #tpu.memory_space<hbm>> -> memref<50257x768xf32, #tpu.memory_space<hbm>>
    tpu.enqueue_indirect_dma source(%dma_start3A_116 : memref<50257x768xf32, #tpu.memory_space<hbm>>) target(%dma_start3A_111 : memref<16x768xf32, #tpu.memory_space<vmem>>) offsets(%dma_start3A_113 : memref<16xi32, #tpu.memory_space<vmem>>) semaphore(%arg8 : memref<!tpu.dma_semaphore, #tpu.memory_space<semaphore_mem>>)
    %dma_start3A_117 = arith.constant 1 : i32
    %dma_start3A_118 = arith.constant 16 : i32
    %dma_start3A_119 = arith.constant 0 : i32
    %dma_start3A_120 = tpu.memref_slice %arg6[%dma_start3A_117, %dma_start3A_118, %dma_start3A_119] : memref<2x64x768xf32, #tpu.memory_space<vmem>> -> memref<1x16x768xf32, #tpu.memory_space<vmem>>
    %dma_start3A_121 = tpu.memref_squeeze %dma_start3A_120 : memref<1x16x768xf32, #tpu.memory_space<vmem>> -> memref<16x768xf32, #tpu.memory_space<vmem>>
    %dma_start3A_122 = arith.constant 80 : i32
    %dma_start3A_123 = tpu.memref_slice %arg5[%dma_start3A_122] : memref<256xi32, #tpu.memory_space<vmem>> -> memref<16xi32, #tpu.memory_space<vmem>>
    %dma_start3A_124 = arith.constant 0 : i32
    %dma_start3A_125 = arith.constant 0 : i32
    %dma_start3A_126 = tpu.memref_slice %arg3[%dma_start3A_124, %dma_start3A_125] : memref<50257x768xf32, #tpu.memory_space<hbm>> -> memref<50257x768xf32, #tpu.memory_space<hbm>>
    tpu.enqueue_indirect_dma source(%dma_start3A_126 : memref<50257x768xf32, #tpu.memory_space<hbm>>) target(%dma_start3A_121 : memref<16x768xf32, #tpu.memory_space<vmem>>) offsets(%dma_start3A_123 : memref<16xi32, #tpu.memory_space<vmem>>) semaphore(%arg8 : memref<!tpu.dma_semaphore, #tpu.memory_space<semaphore_mem>>)
    %dma_start3A_127 = arith.constant 1 : i32
    %dma_start3A_128 = arith.constant 32 : i32
    %dma_start3A_129 = arith.constant 0 : i32
    %dma_start3A_130 = tpu.memref_slice %arg6[%dma_start3A_127, %dma_start3A_128, %dma_start3A_129] : memref<2x64x768xf32, #tpu.memory_space<vmem>> -> memref<1x16x768xf32, #tpu.memory_space<vmem>>
    %dma_start3A_131 = tpu.memref_squeeze %dma_start3A_130 : memref<1x16x768xf32, #tpu.memory_space<vmem>> -> memref<16x768xf32, #tpu.memory_space<vmem>>
    %dma_start3A_132 = arith.constant 96 : i32
    %dma_start3A_133 = tpu.memref_slice %arg5[%dma_start3A_132] : memref<256xi32, #tpu.memory_space<vmem>> -> memref<16xi32, #tpu.memory_space<vmem>>
    %dma_start3A_134 = arith.constant 0 : i32
    %dma_start3A_135 = arith.constant 0 : i32
    %dma_start3A_136 = tpu.memref_slice %arg3[%dma_start3A_134, %dma_start3A_135] : memref<50257x768xf32, #tpu.memory_space<hbm>> -> memref<50257x768xf32, #tpu.memory_space<hbm>>
    tpu.enqueue_indirect_dma source(%dma_start3A_136 : memref<50257x768xf32, #tpu.memory_space<hbm>>) target(%dma_start3A_131 : memref<16x768xf32, #tpu.memory_space<vmem>>) offsets(%dma_start3A_133 : memref<16xi32, #tpu.memory_space<vmem>>) semaphore(%arg8 : memref<!tpu.dma_semaphore, #tpu.memory_space<semaphore_mem>>)
    %dma_start3A_137 = arith.constant 1 : i32
    %dma_start3A_138 = arith.constant 48 : i32
    %dma_start3A_139 = arith.constant 0 : i32
    %dma_start3A_140 = tpu.memref_slice %arg6[%dma_start3A_137, %dma_start3A_138, %dma_start3A_139] : memref<2x64x768xf32, #tpu.memory_space<vmem>> -> memref<1x16x768xf32, #tpu.memory_space<vmem>>
    %dma_start3A_141 = tpu.memref_squeeze %dma_start3A_140 : memref<1x16x768xf32, #tpu.memory_space<vmem>> -> memref<16x768xf32, #tpu.memory_space<vmem>>
    %dma_start3A_142 = arith.constant 112 : i32
    %dma_start3A_143 = tpu.memref_slice %arg5[%dma_start3A_142] : memref<256xi32, #tpu.memory_space<vmem>> -> memref<16xi32, #tpu.memory_space<vmem>>
    %dma_start3A_144 = arith.constant 0 : i32
    %dma_start3A_145 = arith.constant 0 : i32
    %dma_start3A_146 = tpu.memref_slice %arg3[%dma_start3A_144, %dma_start3A_145] : memref<50257x768xf32, #tpu.memory_space<hbm>> -> memref<50257x768xf32, #tpu.memory_space<hbm>>
    tpu.enqueue_indirect_dma source(%dma_start3A_146 : memref<50257x768xf32, #tpu.memory_space<hbm>>) target(%dma_start3A_141 : memref<16x768xf32, #tpu.memory_space<vmem>>) offsets(%dma_start3A_143 : memref<16xi32, #tpu.memory_space<vmem>>) semaphore(%arg8 : memref<!tpu.dma_semaphore, #tpu.memory_space<semaphore_mem>>)
    %dma_wait3A_147 = arith.constant 0 : i32
    %dma_wait3A_148 = arith.constant 0 : i32
    %dma_wait3A_149 = arith.constant 0 : i32
    %dma_wait3A_150 = tpu.memref_slice %arg6[%dma_wait3A_147, %dma_wait3A_148, %dma_wait3A_149] : memref<2x64x768xf32, #tpu.memory_space<vmem>> -> memref<1x16x768xf32, #tpu.memory_space<vmem>>
    %dma_wait3A_151 = tpu.memref_squeeze %dma_wait3A_150 : memref<1x16x768xf32, #tpu.memory_space<vmem>> -> memref<16x768xf32, #tpu.memory_space<vmem>>
    %dma_wait3A_152 = arith.constant 0 : i32
    %dma_wait3A_153 = tpu.memref_slice %arg5[%dma_wait3A_152] : memref<256xi32, #tpu.memory_space<vmem>> -> memref<16xi32, #tpu.memory_space<vmem>>
    %dma_wait3A_154 = arith.constant 0 : i32
    %dma_wait3A_155 = arith.constant 0 : i32
    %dma_wait3A_156 = tpu.memref_slice %arg3[%dma_wait3A_154, %dma_wait3A_155] : memref<50257x768xf32, #tpu.memory_space<hbm>> -> memref<50257x768xf32, #tpu.memory_space<hbm>>
    tpu.wait_indirect_dma semaphore(%arg8 : memref<!tpu.dma_semaphore, #tpu.memory_space<semaphore_mem>>) src(%dma_wait3A_156 : memref<50257x768xf32, #tpu.memory_space<hbm>>) dst(%dma_wait3A_151 : memref<16x768xf32, #tpu.memory_space<vmem>>)
    %dma_wait3A_157 = arith.constant 0 : i32
    %dma_wait3A_158 = arith.constant 16 : i32
    %dma_wait3A_159 = arith.constant 0 : i32
    %dma_wait3A_160 = tpu.memref_slice %arg6[%dma_wait3A_157, %dma_wait3A_158, %dma_wait3A_159] : memref<2x64x768xf32, #tpu.memory_space<vmem>> -> memref<1x16x768xf32, #tpu.memory_space<vmem>>
    %dma_wait3A_161 = tpu.memref_squeeze %dma_wait3A_160 : memref<1x16x768xf32, #tpu.memory_space<vmem>> -> memref<16x768xf32, #tpu.memory_space<vmem>>
    %dma_wait3A_162 = arith.constant 16 : i32
    %dma_wait3A_163 = tpu.memref_slice %arg5[%dma_wait3A_162] : memref<256xi32, #tpu.memory_space<vmem>> -> memref<16xi32, #tpu.memory_space<vmem>>
    %dma_wait3A_164 = arith.constant 0 : i32
    %dma_wait3A_165 = arith.constant 0 : i32
    %dma_wait3A_166 = tpu.memref_slice %arg3[%dma_wait3A_164, %dma_wait3A_165] : memref<50257x768xf32, #tpu.memory_space<hbm>> -> memref<50257x768xf32, #tpu.memory_space<hbm>>
    tpu.wait_indirect_dma semaphore(%arg8 : memref<!tpu.dma_semaphore, #tpu.memory_space<semaphore_mem>>) src(%dma_wait3A_166 : memref<50257x768xf32, #tpu.memory_space<hbm>>) dst(%dma_wait3A_161 : memref<16x768xf32, #tpu.memory_space<vmem>>)
    %dma_wait3A_167 = arith.constant 0 : i32
    %dma_wait3A_168 = arith.constant 32 : i32
    %dma_wait3A_169 = arith.constant 0 : i32
    %dma_wait3A_170 = tpu.memref_slice %arg6[%dma_wait3A_167, %dma_wait3A_168, %dma_wait3A_169] : memref<2x64x768xf32, #tpu.memory_space<vmem>> -> memref<1x16x768xf32, #tpu.memory_space<vmem>>
    %dma_wait3A_171 = tpu.memref_squeeze %dma_wait3A_170 : memref<1x16x768xf32, #tpu.memory_space<vmem>> -> memref<16x768xf32, #tpu.memory_space<vmem>>
    %dma_wait3A_172 = arith.constant 32 : i32
    %dma_wait3A_173 = tpu.memref_slice %arg5[%dma_wait3A_172] : memref<256xi32, #tpu.memory_space<vmem>> -> memref<16xi32, #tpu.memory_space<vmem>>
    %dma_wait3A_174 = arith.constant 0 : i32
    %dma_wait3A_175 = arith.constant 0 : i32
    %dma_wait3A_176 = tpu.memref_slice %arg3[%dma_wait3A_174, %dma_wait3A_175] : memref<50257x768xf32, #tpu.memory_space<hbm>> -> memref<50257x768xf32, #tpu.memory_space<hbm>>
    tpu.wait_indirect_dma semaphore(%arg8 : memref<!tpu.dma_semaphore, #tpu.memory_space<semaphore_mem>>) src(%dma_wait3A_176 : memref<50257x768xf32, #tpu.memory_space<hbm>>) dst(%dma_wait3A_171 : memref<16x768xf32, #tpu.memory_space<vmem>>)
    %dma_wait3A_177 = arith.constant 0 : i32
    %dma_wait3A_178 = arith.constant 48 : i32
    %dma_wait3A_179 = arith.constant 0 : i32
    %dma_wait3A_180 = tpu.memref_slice %arg6[%dma_wait3A_177, %dma_wait3A_178, %dma_wait3A_179] : memref<2x64x768xf32, #tpu.memory_space<vmem>> -> memref<1x16x768xf32, #tpu.memory_space<vmem>>
    %dma_wait3A_181 = tpu.memref_squeeze %dma_wait3A_180 : memref<1x16x768xf32, #tpu.memory_space<vmem>> -> memref<16x768xf32, #tpu.memory_space<vmem>>
    %dma_wait3A_182 = arith.constant 48 : i32
    %dma_wait3A_183 = tpu.memref_slice %arg5[%dma_wait3A_182] : memref<256xi32, #tpu.memory_space<vmem>> -> memref<16xi32, #tpu.memory_space<vmem>>
    %dma_wait3A_184 = arith.constant 0 : i32
    %dma_wait3A_185 = arith.constant 0 : i32
    %dma_wait3A_186 = tpu.memref_slice %arg3[%dma_wait3A_184, %dma_wait3A_185] : memref<50257x768xf32, #tpu.memory_space<hbm>> -> memref<50257x768xf32, #tpu.memory_space<hbm>>
    tpu.wait_indirect_dma semaphore(%arg8 : memref<!tpu.dma_semaphore, #tpu.memory_space<semaphore_mem>>) src(%dma_wait3A_186 : memref<50257x768xf32, #tpu.memory_space<hbm>>) dst(%dma_wait3A_181 : memref<16x768xf32, #tpu.memory_space<vmem>>)
    %add3A_187 = arith.constant 0 : i32
    %add3A_188 = arith.addi %mul3A_2, %add3A_187 : i32
    %dma_start3A_189 = arith.constant 0 : i32
    %dma_start3A_190 = arith.constant 0 : i32
    %dma_start3A_191 = arith.constant 0 : i32
    %dma_start3A_192 = tpu.memref_slice %arg6[%dma_start3A_189, %dma_start3A_190, %dma_start3A_191] : memref<2x64x768xf32, #tpu.memory_space<vmem>> -> memref<1x64x768xf32, #tpu.memory_space<vmem>>
    %dma_start3A_193 = tpu.memref_squeeze %dma_start3A_192 : memref<1x64x768xf32, #tpu.memory_space<vmem>> -> memref<64x768xf32, #tpu.memory_space<vmem>>
    %dma_start3A_194 = arith.constant 0 : i32
    %dma_start3A_195 = tpu.memref_slice %arg4[%add3A_188, %dma_start3A_194] : memref<8192x768xf32, #tpu.memory_space<hbm>> -> memref<64x768xf32, #tpu.memory_space<hbm>>
    %dma_start3A_196 = arith.constant 0 : i32
    %dma_start3A_197 = tpu.memref_slice %arg4[%add3A_188, %dma_start3A_196] : memref<8192x768xf32, #tpu.memory_space<hbm>> -> memref<64x768xf32, #tpu.memory_space<hbm>>
    %dma_start3A_198 = arith.constant 0 : i32
    %dma_start3A_199 = arith.constant 0 : i32
    %dma_start3A_200 = tpu.memref_slice %arg6[%dma_start3A_189, %dma_start3A_198, %dma_start3A_199] : memref<2x64x768xf32, #tpu.memory_space<vmem>> -> memref<1x64x768xf32, #tpu.memory_space<vmem>>
    %dma_start3A_201 = tpu.memref_squeeze %dma_start3A_200 : memref<1x64x768xf32, #tpu.memory_space<vmem>> -> memref<64x768xf32, #tpu.memory_space<vmem>>
    tpu.enqueue_dma source(%dma_start3A_201 : memref<64x768xf32, #tpu.memory_space<vmem>>) target(%dma_start3A_197 : memref<64x768xf32, #tpu.memory_space<hbm>>) target_semaphore(%arg9 : memref<!tpu.dma_semaphore, #tpu.memory_space<semaphore_mem>>)
    %dma_wait3A_202 = arith.constant 0 : i32
    %dma_wait3A_203 = arith.constant 0 : i32
    %dma_wait3A_204 = arith.constant 0 : i32
    %dma_wait3A_205 = tpu.memref_slice %arg6[%dma_wait3A_202, %dma_wait3A_203, %dma_wait3A_204] : memref<2x64x768xf32, #tpu.memory_space<vmem>> -> memref<1x64x768xf32, #tpu.memory_space<vmem>>
    %dma_wait3A_206 = tpu.memref_squeeze %dma_wait3A_205 : memref<1x64x768xf32, #tpu.memory_space<vmem>> -> memref<64x768xf32, #tpu.memory_space<vmem>>
    %dma_wait3A_207 = arith.constant 0 : i32
    %dma_wait3A_208 = tpu.memref_slice %arg4[%add3A_188, %dma_wait3A_207] : memref<8192x768xf32, #tpu.memory_space<hbm>> -> memref<64x768xf32, #tpu.memory_space<hbm>>
    %dma_wait3A_209 = arith.constant 0 : i32
    %dma_wait3A_210 = tpu.memref_slice %arg4[%add3A_188, %dma_wait3A_209] : memref<8192x768xf32, #tpu.memory_space<hbm>> -> memref<64x768xf32, #tpu.memory_space<hbm>>
    %dma_wait3A_211 = arith.constant 0 : i32
    %dma_wait3A_212 = arith.constant 0 : i32
    %dma_wait3A_213 = tpu.memref_slice %arg6[%dma_wait3A_202, %dma_wait3A_211, %dma_wait3A_212] : memref<2x64x768xf32, #tpu.memory_space<vmem>> -> memref<1x64x768xf32, #tpu.memory_space<vmem>>
    %dma_wait3A_214 = tpu.memref_squeeze %dma_wait3A_213 : memref<1x64x768xf32, #tpu.memory_space<vmem>> -> memref<64x768xf32, #tpu.memory_space<vmem>>
    tpu.wait_dma2 semaphore(%arg9 : memref<!tpu.dma_semaphore, #tpu.memory_space<semaphore_mem>>) src(%dma_wait3A_214 : memref<64x768xf32, #tpu.memory_space<vmem>>) dst(%dma_wait3A_210 : memref<64x768xf32, #tpu.memory_space<hbm>>)
    %dma_start3A_215 = arith.constant 0 : i32
    %dma_start3A_216 = arith.constant 0 : i32
    %dma_start3A_217 = arith.constant 0 : i32
    %dma_start3A_218 = tpu.memref_slice %arg6[%dma_start3A_215, %dma_start3A_216, %dma_start3A_217] : memref<2x64x768xf32, #tpu.memory_space<vmem>> -> memref<1x16x768xf32, #tpu.memory_space<vmem>>
    %dma_start3A_219 = tpu.memref_squeeze %dma_start3A_218 : memref<1x16x768xf32, #tpu.memory_space<vmem>> -> memref<16x768xf32, #tpu.memory_space<vmem>>
    %dma_start3A_220 = arith.constant 128 : i32
    %dma_start3A_221 = tpu.memref_slice %arg5[%dma_start3A_220] : memref<256xi32, #tpu.memory_space<vmem>> -> memref<16xi32, #tpu.memory_space<vmem>>
    %dma_start3A_222 = arith.constant 0 : i32
    %dma_start3A_223 = arith.constant 0 : i32
    %dma_start3A_224 = tpu.memref_slice %arg3[%dma_start3A_222, %dma_start3A_223] : memref<50257x768xf32, #tpu.memory_space<hbm>> -> memref<50257x768xf32, #tpu.memory_space<hbm>>
    tpu.enqueue_indirect_dma source(%dma_start3A_224 : memref<50257x768xf32, #tpu.memory_space<hbm>>) target(%dma_start3A_219 : memref<16x768xf32, #tpu.memory_space<vmem>>) offsets(%dma_start3A_221 : memref<16xi32, #tpu.memory_space<vmem>>) semaphore(%arg8 : memref<!tpu.dma_semaphore, #tpu.memory_space<semaphore_mem>>)
    %dma_start3A_225 = arith.constant 0 : i32
    %dma_start3A_226 = arith.constant 16 : i32
    %dma_start3A_227 = arith.constant 0 : i32
    %dma_start3A_228 = tpu.memref_slice %arg6[%dma_start3A_225, %dma_start3A_226, %dma_start3A_227] : memref<2x64x768xf32, #tpu.memory_space<vmem>> -> memref<1x16x768xf32, #tpu.memory_space<vmem>>
    %dma_start3A_229 = tpu.memref_squeeze %dma_start3A_228 : memref<1x16x768xf32, #tpu.memory_space<vmem>> -> memref<16x768xf32, #tpu.memory_space<vmem>>
    %dma_start3A_230 = arith.constant 144 : i32
    %dma_start3A_231 = tpu.memref_slice %arg5[%dma_start3A_230] : memref<256xi32, #tpu.memory_space<vmem>> -> memref<16xi32, #tpu.memory_space<vmem>>
    %dma_start3A_232 = arith.constant 0 : i32
    %dma_start3A_233 = arith.constant 0 : i32
    %dma_start3A_234 = tpu.memref_slice %arg3[%dma_start3A_232, %dma_start3A_233] : memref<50257x768xf32, #tpu.memory_space<hbm>> -> memref<50257x768xf32, #tpu.memory_space<hbm>>
    tpu.enqueue_indirect_dma source(%dma_start3A_234 : memref<50257x768xf32, #tpu.memory_space<hbm>>) target(%dma_start3A_229 : memref<16x768xf32, #tpu.memory_space<vmem>>) offsets(%dma_start3A_231 : memref<16xi32, #tpu.memory_space<vmem>>) semaphore(%arg8 : memref<!tpu.dma_semaphore, #tpu.memory_space<semaphore_mem>>)
    %dma_start3A_235 = arith.constant 0 : i32
    %dma_start3A_236 = arith.constant 32 : i32
    %dma_start3A_237 = arith.constant 0 : i32
    %dma_start3A_238 = tpu.memref_slice %arg6[%dma_start3A_235, %dma_start3A_236, %dma_start3A_237] : memref<2x64x768xf32, #tpu.memory_space<vmem>> -> memref<1x16x768xf32, #tpu.memory_space<vmem>>
    %dma_start3A_239 = tpu.memref_squeeze %dma_start3A_238 : memref<1x16x768xf32, #tpu.memory_space<vmem>> -> memref<16x768xf32, #tpu.memory_space<vmem>>
    %dma_start3A_240 = arith.constant 160 : i32
    %dma_start3A_241 = tpu.memref_slice %arg5[%dma_start3A_240] : memref<256xi32, #tpu.memory_space<vmem>> -> memref<16xi32, #tpu.memory_space<vmem>>
    %dma_start3A_242 = arith.constant 0 : i32
    %dma_start3A_243 = arith.constant 0 : i32
    %dma_start3A_244 = tpu.memref_slice %arg3[%dma_start3A_242, %dma_start3A_243] : memref<50257x768xf32, #tpu.memory_space<hbm>> -> memref<50257x768xf32, #tpu.memory_space<hbm>>
    tpu.enqueue_indirect_dma source(%dma_start3A_244 : memref<50257x768xf32, #tpu.memory_space<hbm>>) target(%dma_start3A_239 : memref<16x768xf32, #tpu.memory_space<vmem>>) offsets(%dma_start3A_241 : memref<16xi32, #tpu.memory_space<vmem>>) semaphore(%arg8 : memref<!tpu.dma_semaphore, #tpu.memory_space<semaphore_mem>>)
    %dma_start3A_245 = arith.constant 0 : i32
    %dma_start3A_246 = arith.constant 48 : i32
    %dma_start3A_247 = arith.constant 0 : i32
    %dma_start3A_248 = tpu.memref_slice %arg6[%dma_start3A_245, %dma_start3A_246, %dma_start3A_247] : memref<2x64x768xf32, #tpu.memory_space<vmem>> -> memref<1x16x768xf32, #tpu.memory_space<vmem>>
    %dma_start3A_249 = tpu.memref_squeeze %dma_start3A_248 : memref<1x16x768xf32, #tpu.memory_space<vmem>> -> memref<16x768xf32, #tpu.memory_space<vmem>>
    %dma_start3A_250 = arith.constant 176 : i32
    %dma_start3A_251 = tpu.memref_slice %arg5[%dma_start3A_250] : memref<256xi32, #tpu.memory_space<vmem>> -> memref<16xi32, #tpu.memory_space<vmem>>
    %dma_start3A_252 = arith.constant 0 : i32
    %dma_start3A_253 = arith.constant 0 : i32
    %dma_start3A_254 = tpu.memref_slice %arg3[%dma_start3A_252, %dma_start3A_253] : memref<50257x768xf32, #tpu.memory_space<hbm>> -> memref<50257x768xf32, #tpu.memory_space<hbm>>
    tpu.enqueue_indirect_dma source(%dma_start3A_254 : memref<50257x768xf32, #tpu.memory_space<hbm>>) target(%dma_start3A_249 : memref<16x768xf32, #tpu.memory_space<vmem>>) offsets(%dma_start3A_251 : memref<16xi32, #tpu.memory_space<vmem>>) semaphore(%arg8 : memref<!tpu.dma_semaphore, #tpu.memory_space<semaphore_mem>>)
    %dma_wait3A_255 = arith.constant 1 : i32
    %dma_wait3A_256 = arith.constant 0 : i32
    %dma_wait3A_257 = arith.constant 0 : i32
    %dma_wait3A_258 = tpu.memref_slice %arg6[%dma_wait3A_255, %dma_wait3A_256, %dma_wait3A_257] : memref<2x64x768xf32, #tpu.memory_space<vmem>> -> memref<1x16x768xf32, #tpu.memory_space<vmem>>
    %dma_wait3A_259 = tpu.memref_squeeze %dma_wait3A_258 : memref<1x16x768xf32, #tpu.memory_space<vmem>> -> memref<16x768xf32, #tpu.memory_space<vmem>>
    %dma_wait3A_260 = arith.constant 64 : i32
    %dma_wait3A_261 = tpu.memref_slice %arg5[%dma_wait3A_260] : memref<256xi32, #tpu.memory_space<vmem>> -> memref<16xi32, #tpu.memory_space<vmem>>
    %dma_wait3A_262 = arith.constant 0 : i32
    %dma_wait3A_263 = arith.constant 0 : i32
    %dma_wait3A_264 = tpu.memref_slice %arg3[%dma_wait3A_262, %dma_wait3A_263] : memref<50257x768xf32, #tpu.memory_space<hbm>> -> memref<50257x768xf32, #tpu.memory_space<hbm>>
    tpu.wait_indirect_dma semaphore(%arg8 : memref<!tpu.dma_semaphore, #tpu.memory_space<semaphore_mem>>) src(%dma_wait3A_264 : memref<50257x768xf32, #tpu.memory_space<hbm>>) dst(%dma_wait3A_259 : memref<16x768xf32, #tpu.memory_space<vmem>>)
    %dma_wait3A_265 = arith.constant 1 : i32
    %dma_wait3A_266 = arith.constant 16 : i32
    %dma_wait3A_267 = arith.constant 0 : i32
    %dma_wait3A_268 = tpu.memref_slice %arg6[%dma_wait3A_265, %dma_wait3A_266, %dma_wait3A_267] : memref<2x64x768xf32, #tpu.memory_space<vmem>> -> memref<1x16x768xf32, #tpu.memory_space<vmem>>
    %dma_wait3A_269 = tpu.memref_squeeze %dma_wait3A_268 : memref<1x16x768xf32, #tpu.memory_space<vmem>> -> memref<16x768xf32, #tpu.memory_space<vmem>>
    %dma_wait3A_270 = arith.constant 80 : i32
    %dma_wait3A_271 = tpu.memref_slice %arg5[%dma_wait3A_270] : memref<256xi32, #tpu.memory_space<vmem>> -> memref<16xi32, #tpu.memory_space<vmem>>
    %dma_wait3A_272 = arith.constant 0 : i32
    %dma_wait3A_273 = arith.constant 0 : i32
    %dma_wait3A_274 = tpu.memref_slice %arg3[%dma_wait3A_272, %dma_wait3A_273] : memref<50257x768xf32, #tpu.memory_space<hbm>> -> memref<50257x768xf32, #tpu.memory_space<hbm>>
    tpu.wait_indirect_dma semaphore(%arg8 : memref<!tpu.dma_semaphore, #tpu.memory_space<semaphore_mem>>) src(%dma_wait3A_274 : memref<50257x768xf32, #tpu.memory_space<hbm>>) dst(%dma_wait3A_269 : memref<16x768xf32, #tpu.memory_space<vmem>>)
    %dma_wait3A_275 = arith.constant 1 : i32
    %dma_wait3A_276 = arith.constant 32 : i32
    %dma_wait3A_277 = arith.constant 0 : i32
    %dma_wait3A_278 = tpu.memref_slice %arg6[%dma_wait3A_275, %dma_wait3A_276, %dma_wait3A_277] : memref<2x64x768xf32, #tpu.memory_space<vmem>> -> memref<1x16x768xf32, #tpu.memory_space<vmem>>
    %dma_wait3A_279 = tpu.memref_squeeze %dma_wait3A_278 : memref<1x16x768xf32, #tpu.memory_space<vmem>> -> memref<16x768xf32, #tpu.memory_space<vmem>>
    %dma_wait3A_280 = arith.constant 96 : i32
    %dma_wait3A_281 = tpu.memref_slice %arg5[%dma_wait3A_280] : memref<256xi32, #tpu.memory_space<vmem>> -> memref<16xi32, #tpu.memory_space<vmem>>
    %dma_wait3A_282 = arith.constant 0 : i32
    %dma_wait3A_283 = arith.constant 0 : i32
    %dma_wait3A_284 = tpu.memref_slice %arg3[%dma_wait3A_282, %dma_wait3A_283] : memref<50257x768xf32, #tpu.memory_space<hbm>> -> memref<50257x768xf32, #tpu.memory_space<hbm>>
    tpu.wait_indirect_dma semaphore(%arg8 : memref<!tpu.dma_semaphore, #tpu.memory_space<semaphore_mem>>) src(%dma_wait3A_284 : memref<50257x768xf32, #tpu.memory_space<hbm>>) dst(%dma_wait3A_279 : memref<16x768xf32, #tpu.memory_space<vmem>>)
    %dma_wait3A_285 = arith.constant 1 : i32
    %dma_wait3A_286 = arith.constant 48 : i32
    %dma_wait3A_287 = arith.constant 0 : i32
    %dma_wait3A_288 = tpu.memref_slice %arg6[%dma_wait3A_285, %dma_wait3A_286, %dma_wait3A_287] : memref<2x64x768xf32, #tpu.memory_space<vmem>> -> memref<1x16x768xf32, #tpu.memory_space<vmem>>
    %dma_wait3A_289 = tpu.memref_squeeze %dma_wait3A_288 : memref<1x16x768xf32, #tpu.memory_space<vmem>> -> memref<16x768xf32, #tpu.memory_space<vmem>>
    %dma_wait3A_290 = arith.constant 112 : i32
    %dma_wait3A_291 = tpu.memref_slice %arg5[%dma_wait3A_290] : memref<256xi32, #tpu.memory_space<vmem>> -> memref<16xi32, #tpu.memory_space<vmem>>
    %dma_wait3A_292 = arith.constant 0 : i32
    %dma_wait3A_293 = arith.constant 0 : i32
    %dma_wait3A_294 = tpu.memref_slice %arg3[%dma_wait3A_292, %dma_wait3A_293] : memref<50257x768xf32, #tpu.memory_space<hbm>> -> memref<50257x768xf32, #tpu.memory_space<hbm>>
    tpu.wait_indirect_dma semaphore(%arg8 : memref<!tpu.dma_semaphore, #tpu.memory_space<semaphore_mem>>) src(%dma_wait3A_294 : memref<50257x768xf32, #tpu.memory_space<hbm>>) dst(%dma_wait3A_289 : memref<16x768xf32, #tpu.memory_space<vmem>>)
    %add3A_295 = arith.constant 64 : i32
    %add3A_296 = arith.addi %mul3A_2, %add3A_295 : i32
    %dma_start3A_297 = arith.constant 1 : i32
    %dma_start3A_298 = arith.constant 0 : i32
    %dma_start3A_299 = arith.constant 0 : i32
    %dma_start3A_300 = tpu.memref_slice %arg6[%dma_start3A_297, %dma_start3A_298, %dma_start3A_299] : memref<2x64x768xf32, #tpu.memory_space<vmem>> -> memref<1x64x768xf32, #tpu.memory_space<vmem>>
    %dma_start3A_301 = tpu.memref_squeeze %dma_start3A_300 : memref<1x64x768xf32, #tpu.memory_space<vmem>> -> memref<64x768xf32, #tpu.memory_space<vmem>>
    %dma_start3A_302 = arith.constant 0 : i32
    %dma_start3A_303 = tpu.memref_slice %arg4[%add3A_296, %dma_start3A_302] : memref<8192x768xf32, #tpu.memory_space<hbm>> -> memref<64x768xf32, #tpu.memory_space<hbm>>
    %dma_start3A_304 = arith.constant 0 : i32
    %dma_start3A_305 = tpu.memref_slice %arg4[%add3A_296, %dma_start3A_304] : memref<8192x768xf32, #tpu.memory_space<hbm>> -> memref<64x768xf32, #tpu.memory_space<hbm>>
    %dma_start3A_306 = arith.constant 0 : i32
    %dma_start3A_307 = arith.constant 0 : i32
    %dma_start3A_308 = tpu.memref_slice %arg6[%dma_start3A_297, %dma_start3A_306, %dma_start3A_307] : memref<2x64x768xf32, #tpu.memory_space<vmem>> -> memref<1x64x768xf32, #tpu.memory_space<vmem>>
    %dma_start3A_309 = tpu.memref_squeeze %dma_start3A_308 : memref<1x64x768xf32, #tpu.memory_space<vmem>> -> memref<64x768xf32, #tpu.memory_space<vmem>>
    tpu.enqueue_dma source(%dma_start3A_309 : memref<64x768xf32, #tpu.memory_space<vmem>>) target(%dma_start3A_305 : memref<64x768xf32, #tpu.memory_space<hbm>>) target_semaphore(%arg9 : memref<!tpu.dma_semaphore, #tpu.memory_space<semaphore_mem>>)
    %dma_wait3A_310 = arith.constant 1 : i32
    %dma_wait3A_311 = arith.constant 0 : i32
    %dma_wait3A_312 = arith.constant 0 : i32
    %dma_wait3A_313 = tpu.memref_slice %arg6[%dma_wait3A_310, %dma_wait3A_311, %dma_wait3A_312] : memref<2x64x768xf32, #tpu.memory_space<vmem>> -> memref<1x64x768xf32, #tpu.memory_space<vmem>>
    %dma_wait3A_314 = tpu.memref_squeeze %dma_wait3A_313 : memref<1x64x768xf32, #tpu.memory_space<vmem>> -> memref<64x768xf32, #tpu.memory_space<vmem>>
    %dma_wait3A_315 = arith.constant 0 : i32
    %dma_wait3A_316 = tpu.memref_slice %arg4[%add3A_296, %dma_wait3A_315] : memref<8192x768xf32, #tpu.memory_space<hbm>> -> memref<64x768xf32, #tpu.memory_space<hbm>>
    %dma_wait3A_317 = arith.constant 0 : i32
    %dma_wait3A_318 = tpu.memref_slice %arg4[%add3A_296, %dma_wait3A_317] : memref<8192x768xf32, #tpu.memory_space<hbm>> -> memref<64x768xf32, #tpu.memory_space<hbm>>
    %dma_wait3A_319 = arith.constant 0 : i32
    %dma_wait3A_320 = arith.constant 0 : i32
    %dma_wait3A_321 = tpu.memref_slice %arg6[%dma_wait3A_310, %dma_wait3A_319, %dma_wait3A_320] : memref<2x64x768xf32, #tpu.memory_space<vmem>> -> memref<1x64x768xf32, #tpu.memory_space<vmem>>
    %dma_wait3A_322 = tpu.memref_squeeze %dma_wait3A_321 : memref<1x64x768xf32, #tpu.memory_space<vmem>> -> memref<64x768xf32, #tpu.memory_space<vmem>>
    tpu.wait_dma2 semaphore(%arg9 : memref<!tpu.dma_semaphore, #tpu.memory_space<semaphore_mem>>) src(%dma_wait3A_322 : memref<64x768xf32, #tpu.memory_space<vmem>>) dst(%dma_wait3A_318 : memref<64x768xf32, #tpu.memory_space<hbm>>)
    %dma_start3A_323 = arith.constant 1 : i32
    %dma_start3A_324 = arith.constant 0 : i32
    %dma_start3A_325 = arith.constant 0 : i32
    %dma_start3A_326 = tpu.memref_slice %arg6[%dma_start3A_323, %dma_start3A_324, %dma_start3A_325] : memref<2x64x768xf32, #tpu.memory_space<vmem>> -> memref<1x16x768xf32, #tpu.memory_space<vmem>>
    %dma_start3A_327 = tpu.memref_squeeze %dma_start3A_326 : memref<1x16x768xf32, #tpu.memory_space<vmem>> -> memref<16x768xf32, #tpu.memory_space<vmem>>
    %dma_start3A_328 = arith.constant 192 : i32
    %dma_start3A_329 = tpu.memref_slice %arg5[%dma_start3A_328] : memref<256xi32, #tpu.memory_space<vmem>> -> memref<16xi32, #tpu.memory_space<vmem>>
    %dma_start3A_330 = arith.constant 0 : i32
    %dma_start3A_331 = arith.constant 0 : i32
    %dma_start3A_332 = tpu.memref_slice %arg3[%dma_start3A_330, %dma_start3A_331] : memref<50257x768xf32, #tpu.memory_space<hbm>> -> memref<50257x768xf32, #tpu.memory_space<hbm>>
    tpu.enqueue_indirect_dma source(%dma_start3A_332 : memref<50257x768xf32, #tpu.memory_space<hbm>>) target(%dma_start3A_327 : memref<16x768xf32, #tpu.memory_space<vmem>>) offsets(%dma_start3A_329 : memref<16xi32, #tpu.memory_space<vmem>>) semaphore(%arg8 : memref<!tpu.dma_semaphore, #tpu.memory_space<semaphore_mem>>)
    %dma_start3A_333 = arith.constant 1 : i32
    %dma_start3A_334 = arith.constant 16 : i32
    %dma_start3A_335 = arith.constant 0 : i32
    %dma_start3A_336 = tpu.memref_slice %arg6[%dma_start3A_333, %dma_start3A_334, %dma_start3A_335] : memref<2x64x768xf32, #tpu.memory_space<vmem>> -> memref<1x16x768xf32, #tpu.memory_space<vmem>>
    %dma_start3A_337 = tpu.memref_squeeze %dma_start3A_336 : memref<1x16x768xf32, #tpu.memory_space<vmem>> -> memref<16x768xf32, #tpu.memory_space<vmem>>
    %dma_start3A_338 = arith.constant 208 : i32
    %dma_start3A_339 = tpu.memref_slice %arg5[%dma_start3A_338] : memref<256xi32, #tpu.memory_space<vmem>> -> memref<16xi32, #tpu.memory_space<vmem>>
    %dma_start3A_340 = arith.constant 0 : i32
    %dma_start3A_341 = arith.constant 0 : i32
    %dma_start3A_342 = tpu.memref_slice %arg3[%dma_start3A_340, %dma_start3A_341] : memref<50257x768xf32, #tpu.memory_space<hbm>> -> memref<50257x768xf32, #tpu.memory_space<hbm>>
    tpu.enqueue_indirect_dma source(%dma_start3A_342 : memref<50257x768xf32, #tpu.memory_space<hbm>>) target(%dma_start3A_337 : memref<16x768xf32, #tpu.memory_space<vmem>>) offsets(%dma_start3A_339 : memref<16xi32, #tpu.memory_space<vmem>>) semaphore(%arg8 : memref<!tpu.dma_semaphore, #tpu.memory_space<semaphore_mem>>)
    %dma_start3A_343 = arith.constant 1 : i32
    %dma_start3A_344 = arith.constant 32 : i32
    %dma_start3A_345 = arith.constant 0 : i32
    %dma_start3A_346 = tpu.memref_slice %arg6[%dma_start3A_343, %dma_start3A_344, %dma_start3A_345] : memref<2x64x768xf32, #tpu.memory_space<vmem>> -> memref<1x16x768xf32, #tpu.memory_space<vmem>>
    %dma_start3A_347 = tpu.memref_squeeze %dma_start3A_346 : memref<1x16x768xf32, #tpu.memory_space<vmem>> -> memref<16x768xf32, #tpu.memory_space<vmem>>
    %dma_start3A_348 = arith.constant 224 : i32
    %dma_start3A_349 = tpu.memref_slice %arg5[%dma_start3A_348] : memref<256xi32, #tpu.memory_space<vmem>> -> memref<16xi32, #tpu.memory_space<vmem>>
    %dma_start3A_350 = arith.constant 0 : i32
    %dma_start3A_351 = arith.constant 0 : i32
    %dma_start3A_352 = tpu.memref_slice %arg3[%dma_start3A_350, %dma_start3A_351] : memref<50257x768xf32, #tpu.memory_space<hbm>> -> memref<50257x768xf32, #tpu.memory_space<hbm>>
    tpu.enqueue_indirect_dma source(%dma_start3A_352 : memref<50257x768xf32, #tpu.memory_space<hbm>>) target(%dma_start3A_347 : memref<16x768xf32, #tpu.memory_space<vmem>>) offsets(%dma_start3A_349 : memref<16xi32, #tpu.memory_space<vmem>>) semaphore(%arg8 : memref<!tpu.dma_semaphore, #tpu.memory_space<semaphore_mem>>)
    %dma_start3A_353 = arith.constant 1 : i32
    %dma_start3A_354 = arith.constant 48 : i32
    %dma_start3A_355 = arith.constant 0 : i32
    %dma_start3A_356 = tpu.memref_slice %arg6[%dma_start3A_353, %dma_start3A_354, %dma_start3A_355] : memref<2x64x768xf32, #tpu.memory_space<vmem>> -> memref<1x16x768xf32, #tpu.memory_space<vmem>>
    %dma_start3A_357 = tpu.memref_squeeze %dma_start3A_356 : memref<1x16x768xf32, #tpu.memory_space<vmem>> -> memref<16x768xf32, #tpu.memory_space<vmem>>
    %dma_start3A_358 = arith.constant 240 : i32
    %dma_start3A_359 = tpu.memref_slice %arg5[%dma_start3A_358] : memref<256xi32, #tpu.memory_space<vmem>> -> memref<16xi32, #tpu.memory_space<vmem>>
    %dma_start3A_360 = arith.constant 0 : i32
    %dma_start3A_361 = arith.constant 0 : i32
    %dma_start3A_362 = tpu.memref_slice %arg3[%dma_start3A_360, %dma_start3A_361] : memref<50257x768xf32, #tpu.memory_space<hbm>> -> memref<50257x768xf32, #tpu.memory_space<hbm>>
    tpu.enqueue_indirect_dma source(%dma_start3A_362 : memref<50257x768xf32, #tpu.memory_space<hbm>>) target(%dma_start3A_357 : memref<16x768xf32, #tpu.memory_space<vmem>>) offsets(%dma_start3A_359 : memref<16xi32, #tpu.memory_space<vmem>>) semaphore(%arg8 : memref<!tpu.dma_semaphore, #tpu.memory_space<semaphore_mem>>)
    %dma_wait3A_363 = arith.constant 0 : i32
    %dma_wait3A_364 = arith.constant 0 : i32
    %dma_wait3A_365 = arith.constant 0 : i32
    %dma_wait3A_366 = tpu.memref_slice %arg6[%dma_wait3A_363, %dma_wait3A_364, %dma_wait3A_365] : memref<2x64x768xf32, #tpu.memory_space<vmem>> -> memref<1x16x768xf32, #tpu.memory_space<vmem>>
    %dma_wait3A_367 = tpu.memref_squeeze %dma_wait3A_366 : memref<1x16x768xf32, #tpu.memory_space<vmem>> -> memref<16x768xf32, #tpu.memory_space<vmem>>
    %dma_wait3A_368 = arith.constant 128 : i32
    %dma_wait3A_369 = tpu.memref_slice %arg5[%dma_wait3A_368] : memref<256xi32, #tpu.memory_space<vmem>> -> memref<16xi32, #tpu.memory_space<vmem>>
    %dma_wait3A_370 = arith.constant 0 : i32
    %dma_wait3A_371 = arith.constant 0 : i32
    %dma_wait3A_372 = tpu.memref_slice %arg3[%dma_wait3A_370, %dma_wait3A_371] : memref<50257x768xf32, #tpu.memory_space<hbm>> -> memref<50257x768xf32, #tpu.memory_space<hbm>>
    tpu.wait_indirect_dma semaphore(%arg8 : memref<!tpu.dma_semaphore, #tpu.memory_space<semaphore_mem>>) src(%dma_wait3A_372 : memref<50257x768xf32, #tpu.memory_space<hbm>>) dst(%dma_wait3A_367 : memref<16x768xf32, #tpu.memory_space<vmem>>)
    %dma_wait3A_373 = arith.constant 0 : i32
    %dma_wait3A_374 = arith.constant 16 : i32
    %dma_wait3A_375 = arith.constant 0 : i32
    %dma_wait3A_376 = tpu.memref_slice %arg6[%dma_wait3A_373, %dma_wait3A_374, %dma_wait3A_375] : memref<2x64x768xf32, #tpu.memory_space<vmem>> -> memref<1x16x768xf32, #tpu.memory_space<vmem>>
    %dma_wait3A_377 = tpu.memref_squeeze %dma_wait3A_376 : memref<1x16x768xf32, #tpu.memory_space<vmem>> -> memref<16x768xf32, #tpu.memory_space<vmem>>
    %dma_wait3A_378 = arith.constant 144 : i32
    %dma_wait3A_379 = tpu.memref_slice %arg5[%dma_wait3A_378] : memref<256xi32, #tpu.memory_space<vmem>> -> memref<16xi32, #tpu.memory_space<vmem>>
    %dma_wait3A_380 = arith.constant 0 : i32
    %dma_wait3A_381 = arith.constant 0 : i32
    %dma_wait3A_382 = tpu.memref_slice %arg3[%dma_wait3A_380, %dma_wait3A_381] : memref<50257x768xf32, #tpu.memory_space<hbm>> -> memref<50257x768xf32, #tpu.memory_space<hbm>>
    tpu.wait_indirect_dma semaphore(%arg8 : memref<!tpu.dma_semaphore, #tpu.memory_space<semaphore_mem>>) src(%dma_wait3A_382 : memref<50257x768xf32, #tpu.memory_space<hbm>>) dst(%dma_wait3A_377 : memref<16x768xf32, #tpu.memory_space<vmem>>)
    %dma_wait3A_383 = arith.constant 0 : i32
    %dma_wait3A_384 = arith.constant 32 : i32
    %dma_wait3A_385 = arith.constant 0 : i32
    %dma_wait3A_386 = tpu.memref_slice %arg6[%dma_wait3A_383, %dma_wait3A_384, %dma_wait3A_385] : memref<2x64x768xf32, #tpu.memory_space<vmem>> -> memref<1x16x768xf32, #tpu.memory_space<vmem>>
    %dma_wait3A_387 = tpu.memref_squeeze %dma_wait3A_386 : memref<1x16x768xf32, #tpu.memory_space<vmem>> -> memref<16x768xf32, #tpu.memory_space<vmem>>
    %dma_wait3A_388 = arith.constant 160 : i32
    %dma_wait3A_389 = tpu.memref_slice %arg5[%dma_wait3A_388] : memref<256xi32, #tpu.memory_space<vmem>> -> memref<16xi32, #tpu.memory_space<vmem>>
    %dma_wait3A_390 = arith.constant 0 : i32
    %dma_wait3A_391 = arith.constant 0 : i32
    %dma_wait3A_392 = tpu.memref_slice %arg3[%dma_wait3A_390, %dma_wait3A_391] : memref<50257x768xf32, #tpu.memory_space<hbm>> -> memref<50257x768xf32, #tpu.memory_space<hbm>>
    tpu.wait_indirect_dma semaphore(%arg8 : memref<!tpu.dma_semaphore, #tpu.memory_space<semaphore_mem>>) src(%dma_wait3A_392 : memref<50257x768xf32, #tpu.memory_space<hbm>>) dst(%dma_wait3A_387 : memref<16x768xf32, #tpu.memory_space<vmem>>)
    %dma_wait3A_393 = arith.constant 0 : i32
    %dma_wait3A_394 = arith.constant 48 : i32
    %dma_wait3A_395 = arith.constant 0 : i32
    %dma_wait3A_396 = tpu.memref_slice %arg6[%dma_wait3A_393, %dma_wait3A_394, %dma_wait3A_395] : memref<2x64x768xf32, #tpu.memory_space<vmem>> -> memref<1x16x768xf32, #tpu.memory_space<vmem>>
    %dma_wait3A_397 = tpu.memref_squeeze %dma_wait3A_396 : memref<1x16x768xf32, #tpu.memory_space<vmem>> -> memref<16x768xf32, #tpu.memory_space<vmem>>
    %dma_wait3A_398 = arith.constant 176 : i32
    %dma_wait3A_399 = tpu.memref_slice %arg5[%dma_wait3A_398] : memref<256xi32, #tpu.memory_space<vmem>> -> memref<16xi32, #tpu.memory_space<vmem>>
    %dma_wait3A_400 = arith.constant 0 : i32
    %dma_wait3A_401 = arith.constant 0 : i32
    %dma_wait3A_402 = tpu.memref_slice %arg3[%dma_wait3A_400, %dma_wait3A_401] : memref<50257x768xf32, #tpu.memory_space<hbm>> -> memref<50257x768xf32, #tpu.memory_space<hbm>>
    tpu.wait_indirect_dma semaphore(%arg8 : memref<!tpu.dma_semaphore, #tpu.memory_space<semaphore_mem>>) src(%dma_wait3A_402 : memref<50257x768xf32, #tpu.memory_space<hbm>>) dst(%dma_wait3A_397 : memref<16x768xf32, #tpu.memory_space<vmem>>)
    %add3A_403 = arith.constant 128 : i32
    %add3A_404 = arith.addi %mul3A_2, %add3A_403 : i32
    %dma_start3A_405 = arith.constant 0 : i32
    %dma_start3A_406 = arith.constant 0 : i32
    %dma_start3A_407 = arith.constant 0 : i32
    %dma_start3A_408 = tpu.memref_slice %arg6[%dma_start3A_405, %dma_start3A_406, %dma_start3A_407] : memref<2x64x768xf32, #tpu.memory_space<vmem>> -> memref<1x64x768xf32, #tpu.memory_space<vmem>>
    %dma_start3A_409 = tpu.memref_squeeze %dma_start3A_408 : memref<1x64x768xf32, #tpu.memory_space<vmem>> -> memref<64x768xf32, #tpu.memory_space<vmem>>
    %dma_start3A_410 = arith.constant 0 : i32
    %dma_start3A_411 = tpu.memref_slice %arg4[%add3A_404, %dma_start3A_410] : memref<8192x768xf32, #tpu.memory_space<hbm>> -> memref<64x768xf32, #tpu.memory_space<hbm>>
    %dma_start3A_412 = arith.constant 0 : i32
    %dma_start3A_413 = tpu.memref_slice %arg4[%add3A_404, %dma_start3A_412] : memref<8192x768xf32, #tpu.memory_space<hbm>> -> memref<64x768xf32, #tpu.memory_space<hbm>>
    %dma_start3A_414 = arith.constant 0 : i32
    %dma_start3A_415 = arith.constant 0 : i32
    %dma_start3A_416 = tpu.memref_slice %arg6[%dma_start3A_405, %dma_start3A_414, %dma_start3A_415] : memref<2x64x768xf32, #tpu.memory_space<vmem>> -> memref<1x64x768xf32, #tpu.memory_space<vmem>>
    %dma_start3A_417 = tpu.memref_squeeze %dma_start3A_416 : memref<1x64x768xf32, #tpu.memory_space<vmem>> -> memref<64x768xf32, #tpu.memory_space<vmem>>
    tpu.enqueue_dma source(%dma_start3A_417 : memref<64x768xf32, #tpu.memory_space<vmem>>) target(%dma_start3A_413 : memref<64x768xf32, #tpu.memory_space<hbm>>) target_semaphore(%arg9 : memref<!tpu.dma_semaphore, #tpu.memory_space<semaphore_mem>>)
    %dma_wait3A_418 = arith.constant 1 : i32
    %dma_wait3A_419 = arith.constant 0 : i32
    %dma_wait3A_420 = arith.constant 0 : i32
    %dma_wait3A_421 = tpu.memref_slice %arg6[%dma_wait3A_418, %dma_wait3A_419, %dma_wait3A_420] : memref<2x64x768xf32, #tpu.memory_space<vmem>> -> memref<1x16x768xf32, #tpu.memory_space<vmem>>
    %dma_wait3A_422 = tpu.memref_squeeze %dma_wait3A_421 : memref<1x16x768xf32, #tpu.memory_space<vmem>> -> memref<16x768xf32, #tpu.memory_space<vmem>>
    %dma_wait3A_423 = arith.constant 192 : i32
    %dma_wait3A_424 = tpu.memref_slice %arg5[%dma_wait3A_423] : memref<256xi32, #tpu.memory_space<vmem>> -> memref<16xi32, #tpu.memory_space<vmem>>
    %dma_wait3A_425 = arith.constant 0 : i32
    %dma_wait3A_426 = arith.constant 0 : i32
    %dma_wait3A_427 = tpu.memref_slice %arg3[%dma_wait3A_425, %dma_wait3A_426] : memref<50257x768xf32, #tpu.memory_space<hbm>> -> memref<50257x768xf32, #tpu.memory_space<hbm>>
    tpu.wait_indirect_dma semaphore(%arg8 : memref<!tpu.dma_semaphore, #tpu.memory_space<semaphore_mem>>) src(%dma_wait3A_427 : memref<50257x768xf32, #tpu.memory_space<hbm>>) dst(%dma_wait3A_422 : memref<16x768xf32, #tpu.memory_space<vmem>>)
    %dma_wait3A_428 = arith.constant 1 : i32
    %dma_wait3A_429 = arith.constant 16 : i32
    %dma_wait3A_430 = arith.constant 0 : i32
    %dma_wait3A_431 = tpu.memref_slice %arg6[%dma_wait3A_428, %dma_wait3A_429, %dma_wait3A_430] : memref<2x64x768xf32, #tpu.memory_space<vmem>> -> memref<1x16x768xf32, #tpu.memory_space<vmem>>
    %dma_wait3A_432 = tpu.memref_squeeze %dma_wait3A_431 : memref<1x16x768xf32, #tpu.memory_space<vmem>> -> memref<16x768xf32, #tpu.memory_space<vmem>>
    %dma_wait3A_433 = arith.constant 208 : i32
    %dma_wait3A_434 = tpu.memref_slice %arg5[%dma_wait3A_433] : memref<256xi32, #tpu.memory_space<vmem>> -> memref<16xi32, #tpu.memory_space<vmem>>
    %dma_wait3A_435 = arith.constant 0 : i32
    %dma_wait3A_436 = arith.constant 0 : i32
    %dma_wait3A_437 = tpu.memref_slice %arg3[%dma_wait3A_435, %dma_wait3A_436] : memref<50257x768xf32, #tpu.memory_space<hbm>> -> memref<50257x768xf32, #tpu.memory_space<hbm>>
    tpu.wait_indirect_dma semaphore(%arg8 : memref<!tpu.dma_semaphore, #tpu.memory_space<semaphore_mem>>) src(%dma_wait3A_437 : memref<50257x768xf32, #tpu.memory_space<hbm>>) dst(%dma_wait3A_432 : memref<16x768xf32, #tpu.memory_space<vmem>>)
    %dma_wait3A_438 = arith.constant 1 : i32
    %dma_wait3A_439 = arith.constant 32 : i32
    %dma_wait3A_440 = arith.constant 0 : i32
    %dma_wait3A_441 = tpu.memref_slice %arg6[%dma_wait3A_438, %dma_wait3A_439, %dma_wait3A_440] : memref<2x64x768xf32, #tpu.memory_space<vmem>> -> memref<1x16x768xf32, #tpu.memory_space<vmem>>
    %dma_wait3A_442 = tpu.memref_squeeze %dma_wait3A_441 : memref<1x16x768xf32, #tpu.memory_space<vmem>> -> memref<16x768xf32, #tpu.memory_space<vmem>>
    %dma_wait3A_443 = arith.constant 224 : i32
    %dma_wait3A_444 = tpu.memref_slice %arg5[%dma_wait3A_443] : memref<256xi32, #tpu.memory_space<vmem>> -> memref<16xi32, #tpu.memory_space<vmem>>
    %dma_wait3A_445 = arith.constant 0 : i32
    %dma_wait3A_446 = arith.constant 0 : i32
    %dma_wait3A_447 = tpu.memref_slice %arg3[%dma_wait3A_445, %dma_wait3A_446] : memref<50257x768xf32, #tpu.memory_space<hbm>> -> memref<50257x768xf32, #tpu.memory_space<hbm>>
    tpu.wait_indirect_dma semaphore(%arg8 : memref<!tpu.dma_semaphore, #tpu.memory_space<semaphore_mem>>) src(%dma_wait3A_447 : memref<50257x768xf32, #tpu.memory_space<hbm>>) dst(%dma_wait3A_442 : memref<16x768xf32, #tpu.memory_space<vmem>>)
    %dma_wait3A_448 = arith.constant 1 : i32
    %dma_wait3A_449 = arith.constant 48 : i32
    %dma_wait3A_450 = arith.constant 0 : i32
    %dma_wait3A_451 = tpu.memref_slice %arg6[%dma_wait3A_448, %dma_wait3A_449, %dma_wait3A_450] : memref<2x64x768xf32, #tpu.memory_space<vmem>> -> memref<1x16x768xf32, #tpu.memory_space<vmem>>
    %dma_wait3A_452 = tpu.memref_squeeze %dma_wait3A_451 : memref<1x16x768xf32, #tpu.memory_space<vmem>> -> memref<16x768xf32, #tpu.memory_space<vmem>>
    %dma_wait3A_453 = arith.constant 240 : i32
    %dma_wait3A_454 = tpu.memref_slice %arg5[%dma_wait3A_453] : memref<256xi32, #tpu.memory_space<vmem>> -> memref<16xi32, #tpu.memory_space<vmem>>
    %dma_wait3A_455 = arith.constant 0 : i32
    %dma_wait3A_456 = arith.constant 0 : i32
    %dma_wait3A_457 = tpu.memref_slice %arg3[%dma_wait3A_455, %dma_wait3A_456] : memref<50257x768xf32, #tpu.memory_space<hbm>> -> memref<50257x768xf32, #tpu.memory_space<hbm>>
    tpu.wait_indirect_dma semaphore(%arg8 : memref<!tpu.dma_semaphore, #tpu.memory_space<semaphore_mem>>) src(%dma_wait3A_457 : memref<50257x768xf32, #tpu.memory_space<hbm>>) dst(%dma_wait3A_452 : memref<16x768xf32, #tpu.memory_space<vmem>>)
    %add3A_458 = arith.constant 192 : i32
    %add3A_459 = arith.addi %mul3A_2, %add3A_458 : i32
    %dma_start3A_460 = arith.constant 1 : i32
    %dma_start3A_461 = arith.constant 0 : i32
    %dma_start3A_462 = arith.constant 0 : i32
    %dma_start3A_463 = tpu.memref_slice %arg6[%dma_start3A_460, %dma_start3A_461, %dma_start3A_462] : memref<2x64x768xf32, #tpu.memory_space<vmem>> -> memref<1x64x768xf32, #tpu.memory_space<vmem>>
    %dma_start3A_464 = tpu.memref_squeeze %dma_start3A_463 : memref<1x64x768xf32, #tpu.memory_space<vmem>> -> memref<64x768xf32, #tpu.memory_space<vmem>>
    %dma_start3A_465 = arith.constant 0 : i32
    %dma_start3A_466 = tpu.memref_slice %arg4[%add3A_459, %dma_start3A_465] : memref<8192x768xf32, #tpu.memory_space<hbm>> -> memref<64x768xf32, #tpu.memory_space<hbm>>
    %dma_start3A_467 = arith.constant 0 : i32
    %dma_start3A_468 = tpu.memref_slice %arg4[%add3A_459, %dma_start3A_467] : memref<8192x768xf32, #tpu.memory_space<hbm>> -> memref<64x768xf32, #tpu.memory_space<hbm>>
    %dma_start3A_469 = arith.constant 0 : i32
    %dma_start3A_470 = arith.constant 0 : i32
    %dma_start3A_471 = tpu.memref_slice %arg6[%dma_start3A_460, %dma_start3A_469, %dma_start3A_470] : memref<2x64x768xf32, #tpu.memory_space<vmem>> -> memref<1x64x768xf32, #tpu.memory_space<vmem>>
    %dma_start3A_472 = tpu.memref_squeeze %dma_start3A_471 : memref<1x64x768xf32, #tpu.memory_space<vmem>> -> memref<64x768xf32, #tpu.memory_space<vmem>>
    tpu.enqueue_dma source(%dma_start3A_472 : memref<64x768xf32, #tpu.memory_space<vmem>>) target(%dma_start3A_468 : memref<64x768xf32, #tpu.memory_space<hbm>>) target_semaphore(%arg9 : memref<!tpu.dma_semaphore, #tpu.memory_space<semaphore_mem>>)
    %dma_wait3A_473 = arith.constant 0 : i32
    %dma_wait3A_474 = arith.constant 0 : i32
    %dma_wait3A_475 = arith.constant 0 : i32
    %dma_wait3A_476 = tpu.memref_slice %arg6[%dma_wait3A_473, %dma_wait3A_474, %dma_wait3A_475] : memref<2x64x768xf32, #tpu.memory_space<vmem>> -> memref<1x64x768xf32, #tpu.memory_space<vmem>>
    %dma_wait3A_477 = tpu.memref_squeeze %dma_wait3A_476 : memref<1x64x768xf32, #tpu.memory_space<vmem>> -> memref<64x768xf32, #tpu.memory_space<vmem>>
    %dma_wait3A_478 = arith.constant 0 : i32
    %dma_wait3A_479 = tpu.memref_slice %arg4[%add3A_404, %dma_wait3A_478] : memref<8192x768xf32, #tpu.memory_space<hbm>> -> memref<64x768xf32, #tpu.memory_space<hbm>>
    %dma_wait3A_480 = arith.constant 0 : i32
    %dma_wait3A_481 = tpu.memref_slice %arg4[%add3A_404, %dma_wait3A_480] : memref<8192x768xf32, #tpu.memory_space<hbm>> -> memref<64x768xf32, #tpu.memory_space<hbm>>
    %dma_wait3A_482 = arith.constant 0 : i32
    %dma_wait3A_483 = arith.constant 0 : i32
    %dma_wait3A_484 = tpu.memref_slice %arg6[%dma_wait3A_473, %dma_wait3A_482, %dma_wait3A_483] : memref<2x64x768xf32, #tpu.memory_space<vmem>> -> memref<1x64x768xf32, #tpu.memory_space<vmem>>
    %dma_wait3A_485 = tpu.memref_squeeze %dma_wait3A_484 : memref<1x64x768xf32, #tpu.memory_space<vmem>> -> memref<64x768xf32, #tpu.memory_space<vmem>>
    tpu.wait_dma2 semaphore(%arg9 : memref<!tpu.dma_semaphore, #tpu.memory_space<semaphore_mem>>) src(%dma_wait3A_485 : memref<64x768xf32, #tpu.memory_space<vmem>>) dst(%dma_wait3A_481 : memref<64x768xf32, #tpu.memory_space<hbm>>)
    %dma_wait3A_486 = arith.constant 1 : i32
    %dma_wait3A_487 = arith.constant 0 : i32
    %dma_wait3A_488 = arith.constant 0 : i32
    %dma_wait3A_489 = tpu.memref_slice %arg6[%dma_wait3A_486, %dma_wait3A_487, %dma_wait3A_488] : memref<2x64x768xf32, #tpu.memory_space<vmem>> -> memref<1x64x768xf32, #tpu.memory_space<vmem>>
    %dma_wait3A_490 = tpu.memref_squeeze %dma_wait3A_489 : memref<1x64x768xf32, #tpu.memory_space<vmem>> -> memref<64x768xf32, #tpu.memory_space<vmem>>
    %dma_wait3A_491 = arith.constant 0 : i32
    %dma_wait3A_492 = tpu.memref_slice %arg4[%add3A_459, %dma_wait3A_491] : memref<8192x768xf32, #tpu.memory_space<hbm>> -> memref<64x768xf32, #tpu.memory_space<hbm>>
    %dma_wait3A_493 = arith.constant 0 : i32
    %dma_wait3A_494 = tpu.memref_slice %arg4[%add3A_459, %dma_wait3A_493] : memref<8192x768xf32, #tpu.memory_space<hbm>> -> memref<64x768xf32, #tpu.memory_space<hbm>>
    %dma_wait3A_495 = arith.constant 0 : i32
    %dma_wait3A_496 = arith.constant 0 : i32
    %dma_wait3A_497 = tpu.memref_slice %arg6[%dma_wait3A_486, %dma_wait3A_495, %dma_wait3A_496] : memref<2x64x768xf32, #tpu.memory_space<vmem>> -> memref<1x64x768xf32, #tpu.memory_space<vmem>>
    %dma_wait3A_498 = tpu.memref_squeeze %dma_wait3A_497 : memref<1x64x768xf32, #tpu.memory_space<vmem>> -> memref<64x768xf32, #tpu.memory_space<vmem>>
    tpu.wait_dma2 semaphore(%arg9 : memref<!tpu.dma_semaphore, #tpu.memory_space<semaphore_mem>>) src(%dma_wait3A_498 : memref<64x768xf32, #tpu.memory_space<vmem>>) dst(%dma_wait3A_494 : memref<64x768xf32, #tpu.memory_space<hbm>>)
    return
  }
}

</mosaic_0001>

<sc_bundles>
// kernel: _embed.3.cloned.1.call-start
scs
__scs_entry_jumppad:
0x0: {  	(pc) =	sbr.rel $0x88, $3  }
0x1: {  	(tag) =	ssettag $0x0;
	lr =	simm.s32 $0x1  }
0x2: {  	[smem:$0x3F9F] =	sst lr;
	_ =	strace $0xD0000000  }
0x3: {  	_ = 	snop  }
0x4: {  	_ = 	snop  }
0x5: {  	_ = 	snop  }
0x6: {  	_ = 	snop  }
0x7: {  	_ = 	snop  }
__scs_overlays_trampoline_lowered:
0x8: {  	[smem:$0x3FAE] =	sst s0  }
0x9: {  	[smem:$0x3FAF] =	sst s1  }
0xa: {  	[smem:$0x3FB0] =	sst s2  }
0xb: {  	[smem:$0x3FB1] =	sst s3  }
0xc: {  	[smem:$0x3FB2] =	sst s4  }
0xd: {  	[smem:$0x3FB3] =	sst s5  }
0xe: {  	[smem:$0x3FB4] =	sst s6  }
0xf: {  	[smem:$0x3FB5] =	sst s7  }
0x10: {  	[smem:$0x3FB6] =	sst s8  }
0x11: {  	[smem:$0x3FB7] =	sst s9;
	s0 =	simm.s32 @!p0 $0x0  }
0x12: {  	s1 =	sld [smem:$0x3F9D];
	s0 =	simm.s32 @p0 $0x1  }
0x13: {  	[smem:$0x3FB8] =	sst s0;
	s0 =	simm.s32 @!p1 $0x0  }
0x14: {  	s2 =	sld [smem:$0x3F9C];
	s0 =	simm.s32 @p1 $0x1  }
0x15: {  	[smem:$0x3FB9] =	sst s0;
	s0 =	simm.s32 @!p2 $0x0  }
0x16: {  	s3 =	sld [smem:$0x3FDB];
	s0 =	simm.s32 @p2 $0x1  }
0x17: {  	s4 =	simm.s32 $0x1BF5;
	[smem:$0x3FBB] =	sst s0  }
0x18: {  	s0 =	sld [smem:$0x3F9E];
	_ =	swait.ge [sflag:s4], $0x0  }
0x19: {  	s7 =	sld [smem:$0x3F9F]  }
0x1a: {  	s8 =	sadd.s32 $0xFFFFE003, lr  }
0x1b: {  	s9 =	sadd.s32 $0xFFFFFEF7, lr;
	s5 =	simm.s32 $0xFFFFFFFF;
	p2 =	slt.u32 s8, $0xFFFFF086  }
0x1c: {  	p1 =	slt.u32 s9, $0xF7A;
	s5 =	simm.s32 @!p2 $0x0  }
0x1d: {  	s5 =	simm.s32 @p1 $0x1;
	p0 =	seq.s32 s7, s2  }
0x1e: {  	s7 =	smul.u32 @!p0 $0xF7A, s2;
	p2 =	seq.s32 @!p0 s5, $0x0  }
0x1f: {  	s9 =	smul.u32 $0xF7A, s1;
	s8 =	simm.s32 @!p0 $0x1BF5;
	p2 =	por !p2, p0  }
0x20: {  	[sflag:s8] =	ssyncset.s32 @!p0 $0xFFFFF086;
	s6 =	sadd.s32 @!p0 s3, s7;
	s7 =	simm.s32 @!p0 $0x108  }
0x21: {  	s3 =	sadd.s32 s3, s9;
	s6 =	sadd.s32 @!p0 $0x88, s6;
	s7 =	simm.s32 @p2 $0x1082  }
0x22: {  	[simem:s7], [sflag:s8] =	dma.local @!p0 [hbm:s6], $0xF7A  }
0x23: {  	s9 =	sor.u32 $0xD0000000, s2;
	s6 =	simm.s32 $0x108;
	_ =	swait.ge @!p0 [sflag:s8], $0x0  }
0x24: {  	s3 =	sadd.s32 $0x88, s3;
	s6 =	simm.s32 @!p1 $0x1082;
	[sflag:s4] =	ssyncset.s32 $0xFFFFF086  }
0x25: {  	[simem:s6], [sflag:s4] =	dma.local [hbm:s3], $0xF7A  }
0x26: {  	[smem:$0x3F9F] =	sst s1;
	(tag) =	ssettag s2;
	_ =	strace s9  }
0x27: {  	s1 =	sld [smem:$0x3FAF]  }
0x28: {  	s2 =	sld [smem:$0x3FB0]  }
0x29: {  	s4 =	sld [smem:$0x3FB2]  }
0x2a: {  	p0 =	seq.s32 s5, $0x0;
	s5 =	sld [smem:$0x3FB3]  }
0x2b: {  	s6 =	sld [smem:$0x3FB4]  }
0x2c: {  	s7 =	sld [smem:$0x3FB5]  }
0x2d: {  	s3 =	simm.s32 $0x108;
	s8 =	sld [smem:$0x3FB6]  }
0x2e: {  	s3 =	simm.s32 @!p0 $0x1082;
	s9 =	sld [smem:$0x3FB7]  }
0x2f: {  	lr =	sadd.s32 s0, s3;
	s0 =	sld [smem:$0x3FAE]  }
0x30: {  	s3 =	sld [smem:$0x3FB1]  }
0x31: {  	[smem:$0x3FBA] =	sst s10  }
0x32: {  	s10 =	sld [smem:$0x3FB8];
	_ =	sdelay $0x3  }
0x33: {  	p0 =	seq.s32 s10, $0x1;
	s10 =	sld [smem:$0x3FBA];
	_ =	sdelay $0x3  }
0x34: {  	[smem:$0x3FBA] =	sst s10  }
0x35: {  	s10 =	sld [smem:$0x3FB9];
	_ =	sdelay $0x3  }
0x36: {  	p1 =	seq.s32 s10, $0x1;
	s10 =	sld [smem:$0x3FBA];
	_ =	sdelay $0x3  }
0x37: {  	[smem:$0x3FBA] =	sst s10  }
0x38: {  	s10 =	sld [smem:$0x3FBB]  }
0x39: {  	_ = 	snop;
	(pc) =	sbr.ind lr, $3  }
0x3a: {  	_ = 	snop  }
0x3b: {  	_ = 	snop  }
0x3c: {  	p2 =	seq.s32 s10, $0x1;
	s10 =	sld [smem:$0x3FBA]  }
0x3d: {  	_ =	shalt  }
0x3e: {  	_ =	shalt  }
0x3f: {  	_ =	shalt  }
0x40: {  	_ =	shalt  }
0x41: {  	_ =	shalt  }
0x42: {  	_ =	shalt  }
0x43: {  	_ =	shalt  }
0x44: {  	_ =	shalt  }
0x45: {  	_ =	shalt  }
0x46: {  	_ =	shalt  }
0x47: {  	_ =	shalt  }
0x48: {  	_ =	shalt  }
0x49: {  	_ =	shalt  }
0x4a: {  	_ =	shalt  }
0x4b: {  	_ =	shalt  }
0x4c: {  	_ =	shalt  }
0x4d: {  	_ =	shalt  }
0x4e: {  	_ =	shalt  }
0x4f: {  	_ =	shalt  }
0x50: {  	_ =	shalt  }
0x51: {  	_ =	shalt  }
0x52: {  	_ =	shalt  }
0x53: {  	_ =	shalt  }
0x54: {  	_ =	shalt  }
0x55: {  	_ =	shalt  }
0x56: {  	_ =	shalt  }
0x57: {  	_ =	shalt  }
0x58: {  	_ =	shalt  }
0x59: {  	_ =	shalt  }
0x5a: {  	_ =	shalt  }
0x5b: {  	_ =	shalt  }
0x5c: {  	_ =	shalt  }
0x5d: {  	_ =	shalt  }
0x5e: {  	_ =	shalt  }
0x5f: {  	_ =	shalt  }
0x60: {  	_ =	shalt  }
0x61: {  	_ =	shalt  }
0x62: {  	_ =	shalt  }
0x63: {  	_ =	shalt  }
0x64: {  	_ =	shalt  }
0x65: {  	_ =	shalt  }
0x66: {  	_ =	shalt  }
0x67: {  	_ =	shalt  }
0x68: {  	_ =	shalt  }
0x69: {  	_ =	shalt  }
0x6a: {  	_ =	shalt  }
0x6b: {  	_ =	shalt  }
0x6c: {  	_ =	shalt  }
0x6d: {  	_ =	shalt  }
0x6e: {  	_ =	shalt  }
0x6f: {  	_ =	shalt  }
0x70: {  	_ =	shalt  }
0x71: {  	_ =	shalt  }
0x72: {  	_ =	shalt  }
0x73: {  	_ =	shalt  }
0x74: {  	_ =	shalt  }
0x75: {  	_ =	shalt  }
0x76: {  	_ =	shalt  }
0x77: {  	_ =	shalt  }
0x78: {  	_ =	shalt  }
0x79: {  	_ =	shalt  }
0x7a: {  	_ =	shalt  }
0x7b: {  	_ =	shalt  }
0x7c: {  	_ =	shalt  }
0x7d: {  	_ =	shalt  }
0x7e: {  	_ =	shalt  }
0x7f: {  	_ =	shalt  }
0x80: {  	_ =	shalt  }
0x81: {  	_ =	shalt  }
0x82: {  	_ =	shalt  }
0x83: {  	_ =	shalt  }
0x84: {  	_ =	shalt  }
0x85: {  	_ =	shalt  }
0x86: {  	_ =	shalt  }
0x87: {  	_ =	shalt  }
.Lfunc_end0:
.L_simem_size_0:
called_computation_lowered:
.L_overlay_start_0:
0x88: {  	s2 =	sld [smem:$0x3FD9]  }
0x89: {  	s3 =	sld [smem:$0x3FFE];
	_ =	sdelay $0x1  }
0x8a: {  	s1 =	srdreg.scid  }
0x8b: {  	s0 =	sand.u32 $0x1, s1  }
0x8c: {  	s18 =	sshll.u32 s0, $0xA;
	s2 =	sadd.s32 s3, s2  }
0x8d: {  	s2 =	sadd.s32 s2, s18  }
0x8e: {  	[smem:$0x3FC6] =	sst s2  }
0x8f: {  	_ = 	snop  }
0x90: {  	s2 =	sld [smem:$0x3FC9]  }
0x91: {  	s19 =	sld [smem:$0x3FC8]  }
0x92: {  	s4 =	sld [smem:$0x3FD0];
	(tm) =	ssettm $0x1  }
0x93: {  	s5 =	sld [smem:$0x3FFB];
	_ =	sdelay $0x3  }
0x94: {  	_ =	strace s5  }
0x95: {  	s5 =	sld [smem:$0x3FFC];
	_ =	sdelay $0x3  }
0x96: {  	_ =	strace s5  }
0x97: {  	s5 =	sld [smem:$0x3FFD];
	_ =	sdelay $0x3  }
0x98: {  	_ =	strace s5  }
0x99: {  	_ =	strace $0x8FFFFFFF  }
0x9a: {  	s20 =	sld [smem:$0x3FDB];
	_ =	sdelay $0x1  }
0x9b: {  	s6 =	simm.s32 $_scs_section_size  }
0x9c: {  	s7 =	simm.s32 $_size__tile_overlayer_lowered;
	s8 =	simm.s32 $_tile_overlayer_lowered  }
0x9d: {  	s23 =	simm.s32 $0x1BFF;
	s22 =	sshll.u32 s8, $0x1;
	s5 =	sadd.s32 s6, s20  }
0x9e: {  	s9 =	simm.s32 $0x0;
	s21 =	sshll.u32 s7, $0x1;
	s7 =	sadd.s32 s22, s5  }
0x9f: {  	[timem:s9], [sflag:s23] =	dma.local [hbm:s7], s21  }
0xa0: {  	_ =	swait.ge [sflag:s23], s21  }
0xa1: {  	s6 =	ssub.s32 $0x0, s21;
	[sflag:s23] =	ssyncset.done $0x0  }
0xa2: {  	[sflag:s23] =	ssyncadd.s32 s6;
	_ =	sdelay $0x1  }
0xa3: {  	s24 =	simm.s32 $0x1B8B  }
0xa4: {  	_ =	swait.ge [sflag:s24], $0x1  }
0xa5: {  	[sflag:s24] =	ssyncset.done $0x0  }
0xa6: {  	s25 =	simm.s32 $0x1B8E;
	[sflag:s24] =	ssyncadd.s32 $0xFFFFFFFF  }
0xa7: {  	s26 =	simm.s32 $execute0_lowered;
	[smem:$0x3FD2] =	sst s25  }
0xa8: {  	s6 =	sshll.u32 s26, $0x1;
	_ =	strace $0x80000046;
	[dreg:$0x1] =	wrdreg $0xFFFFFFFF  }
0xa9: {  	s28 =	simm.s32 $_size_execute0_lowered;
	s5 =	sadd.s32 s5, s6;
	[dreg:$0x0] =	wrdreg $0x0  }
0xaa: {  	s6 =	sshll.u32 s28, $0x1;
	[dreg:$0x2] =	wrdreg s5  }
0xab: {  	[dreg:$0x3] =	wrdreg s6  }
0xac: {  	[dreg:$0x4] =	wrdreg $0xC0  }
0xad: {  	_ =	task [dreg:s9], $0x5FFFF  }
0xae: {  	[dreg:$0x1] =	wrdreg $0xFFFFFFFF  }
0xaf: {  	[dreg:$0x0] =	wrdreg $0x60  }
0xb0: {  	[dreg:$0x2] =	wrdreg s2  }
0xb1: {  	[dreg:$0x3] =	wrdreg s19  }
0xb2: {  	[dreg:$0x4] =	wrdreg s4  }
0xb3: {  	[dreg:$0x5] =	wrdreg $0x9  }
0xb4: {  	_ =	task.clear_ibuf [dreg:s9], $0x6FFFF;
	_ =	strace $0x90000046  }
0xb5: {  	s29 =	simm.s32 $0x9;
	_ =	strace $0x80000048  }
0xb6: {  	_ =	swait.ge [sflag:s29], $0x1  }
0xb7: {  	[sflag:s29] =	ssyncadd.s32 $0xFFFFFFFF  }
0xb8: {  	_ =	strace $0x90000048  }
0xb9: {  	_ =	sfence  }
0xba: {  	s30 =	sld [smem:$0x0];
	_ =	sdelay $0x2  }
0xbb: {  	s31 =	sshll.u32 s1, $0xD;
	s1 =	sshrl.u32 s1, $0x2  }
0xbc: {  	s3 =	sand.u32 $0x4000, s31;
	s1 =	sadd.s32 s1, s30  }
0xbd: {  	s0 =	sor.u32 s3, s0;
	s1 =	sshll.u32 s1, $0x11  }
0xbe: {  	s0 =	sor.u32 s1, s0  }
0xbf: {  	s0 =	sadd.s32 $0x8F2B, s0  }
0xc0: {  	[sflag:s0] =	ssyncadd.remote.s32 $0x1  }
0xc1: {  	_ =	sfence.sel $0xFFFF  }
0xc2: {  	[dreg:$0x0] =	wrdreg $0xFFFFFFFF;
	(pc) =	sbr.abs _section_cstart, $3  }
0xc3: {  	[dreg:$0x1] =	wrdreg $0xFFFFFFFF  }
0xc4: {  	_ =	task.clear_ibuf [dreg:s9], $0x2FFFF;
	_ =	strace $0x9FFFFFFF  }
0xc5: {  	(tm) =	ssettm $0x7FFFFFFF  }
tec
execute0_lowered:
.L_overlay_start_1:
0x0: {  	(tag) =	ssettag $0x1  }
0x1: {  	s0 =	rddreg [dreg:$0x0];
	s1 =	srdreg.scid  }
0x2: {  	s7 =	stileid.u32;
	s2 =	rddreg [dreg:$0x1]  }
0x3: {  	s4 =	rddreg [dreg:$0x2];
	s26 =	simm.s32 $0x80;
	s12 =	simm.s32 $0x2  }
0x4: {  	s15 =	simm.s32 $0x900;
	s16 =	simm.s32 $0x1100;
	s17 =	simm.s32 $0x1900  }
0x5: {  	s18 =	simm.s32 $0x2100;
	s19 =	simm.s32 $0x2900;
	s28 =	simm.s32 $0x6900  }
0x6: {  	s29 =	simm.s32 $0x7100;
	s30 =	simm.s32 $0x7900;
	s31 =	simm.s32 $0x8100  }
0x7: {  	s11 =	simm.s32 $0x9100;
	s10 =	simm.s32 $0xA100;
	s9 =	simm.s32 $0xA900  }
0x8: {  	s1 =	sand.u32 $0x1, s1;
	s3 =	sshll.u32 s7, $0x1;
	s7 =	sshll.u32 s7, $0x2  }
0x9: {  	s5 =	sor.u32 s1, s3;
	s3 =	simm.s32 $0x0;
	s1 =	ssub.s32 $0x2, s1  }
0xa: {  	s6 =	sshll.u32 s5, $0x7;
	s20 =	smul.u32 $0x6000, s5;
	[smem:$0x7FF] =	sst s3  }
0xb: {  	s5 =	smul.u32 $0x30000, s5;
	s23 =	sshrl.u32 s1, $0x1;
	s6 =	sor.u32 s7, s6  }
0xc: {  	_ =	strace $0x80000047;
	s1 =	ssub.s32 s1, s23;
	s7 =	sadd.s32 $0x200, s2  }
0xd: {  	[dreg:$0x8] =	wrdreg s26;
	s23 =	simm.s32 $0x4900;
	s26 =	simm.s32 $0x6100  }
0xe: {  	s6 =	sand.u32 $0x3B0, s6;
	s21 =	sadd.s32 s4, s20;
	s5 =	sshrl.u32 s5, $0x3  }
0xf: {  	s8 =	smax.u32 s1, $0x1;
	s20 =	simm.s32 $0x3100;
	s0 =	sadd.s32 s0, s6  }
0x10: {  	[dreg:$0xa] =	wrdreg s21;
	s22 =	sadd.s32 $0x1800, s21;
	s4 =	sadd.s32 s4, s5  }
0x11: {  	s6 =	sadd.s32 $0x100, s2;
	s5 =	simm.s32 $0x3;
	[dreg:$0x9] =	wrdreg s0  }
0x12: {  	s21 =	simm.s32 $0x3900;
	s0 =	sadd.s32 $0x40, s0;
	[dreg:$0x5] =	wrdreg s22  }
0x13: {  	v2 =	vlaneseq.u32;
	s24 =	sadd.s32 $0x3000, s4;
	s25 =	sadd.s32 $0x4800, s4;
	[dreg:$0x4] =	wrdreg s0  }
0x14: {  	vm0 =	vmmov $0xffff;
	v1 =	vshrl.u32 v2, $0x3;
	s22 =	simm.s32 $0x4100;
	s4 =	simm.s32 $0xB900;
	[dreg:$0x6] =	wrdreg s24  }
0x15: {  	v0 =	vand.u32 $0x7, v2;
	v2 =	vor.u32 $0x8, v2;
	v1 =	vmul.u32 $0x8, v1;
	[dreg:$0x7] =	wrdreg s25;
	s24 =	simm.s32 $0x5100;
	s25 =	simm.s32 $0x5900  }
.LBB2_1:
0x16: {  	s13 =	rddreg [dreg:$0x9];
	s0 =	simm.s32 $0x1  }
0x17: {  	[tilespmem:s3], [sflag:$0x1] =	stream.linear.gather [hbm4b:s13+s3], $0x80, $0x38;
	[tilespmem:$0x18100] =	vst v63  }
0x18: {  	_ =	swait.ge [sflag:s0], $0x80  }
0x19: {  	[sflag:s0] =	ssyncset.done $0x0  }
0x1a: {  	[sflag:s0] =	ssyncadd.s32 $0xFFFFFF80  }
0x1b: {  	v3 =	vld [tilespmem:$0x0];
	_ =	sdelay $0x4  }
0x1c: {  	v4 =	vshrl.u32 v3, $0x3  }
0x1d: {  	v4 =	vmul.u32 $0x30, v4  }
0x1e: {  	v3 =	vand.u32 $0x7, v3  }
0x1f: {  	v3 =	vor.u32 v3, v4  }
0x20: {  	v4 =	vperm.xlane v3, v0;
	_ =	sdelay $0x1  }
0x21: {  	v4 =	vadd.s32 v1, v4;
	_ =	sdelay $0x3  }
0x22: {  	s1 =	simm.s32 $0x100;
	v3 =	vperm.xlane v3, v2  }
0x23: {  	[tilespmem:s1], [sflag:$0x2] =	stream.indirect_vreg.gather [hbm4b:s2+s3], $0x80, v4, vm0, $0xb8;
	[tilespmem:$0x18100] =	vst v63  }
0x24: {  	v3 =	vadd.s32 v1, v3  }
0x25: {  	[tilespmem:s15], [sflag:$0x2] =	stream.indirect_vreg.gather [hbm4b:s6+s3], $0x80, v4, vm0, $0xb8;
	[tilespmem:$0x18100] =	vst v63  }
0x26: {  	_ = 	snop  }
0x27: {  	[tilespmem:s16], [sflag:$0x2] =	stream.indirect_vreg.gather [hbm4b:s7+s3], $0x80, v4, vm0, $0xb8;
	[tilespmem:$0x18100] =	vst v63  }
0x28: {  	_ = 	snop  }
0x29: {  	[tilespmem:s17], [sflag:$0x2] =	stream.indirect_vreg.gather [hbm4b:s2+s3], $0x80, v3, vm0, $0xb8;
	[tilespmem:$0x18100] =	vst v63  }
0x2a: {  	_ = 	snop  }
0x2b: {  	[tilespmem:s18], [sflag:$0x2] =	stream.indirect_vreg.gather [hbm4b:s6+s3], $0x80, v3, vm0, $0xb8;
	[tilespmem:$0x18100] =	vst v63  }
0x2c: {  	_ = 	snop  }
0x2d: {  	[tilespmem:s19], [sflag:$0x2] =	stream.indirect_vreg.gather [hbm4b:s7+s3], $0x80, v3, vm0, $0xb8;
	[tilespmem:$0x18100] =	vst v63  }
0x2e: {  	v3 =	vld [tilespmem:$0x10];
	_ =	sdelay $0x4  }
0x2f: {  	v49 =	vshrl.u32 v3, $0x3  }
0x30: {  	v4 =	vmul.u32 $0x30, v49  }
0x31: {  	v3 =	vand.u32 $0x7, v3  }
0x32: {  	v3 =	vor.u32 v3, v4  }
0x33: {  	v4 =	vperm.xlane v3, v0;
	_ =	sdelay $0x1  }
0x34: {  	v4 =	vadd.s32 v1, v4;
	_ =	sdelay $0x3  }
0x35: {  	v3 =	vperm.xlane v3, v2  }
0x36: {  	[tilespmem:s20], [sflag:$0x2] =	stream.indirect_vreg.gather [hbm4b:s2+s3], $0x80, v4, vm0, $0xb8;
	[tilespmem:$0x18100] =	vst v63  }
0x37: {  	v3 =	vadd.s32 v1, v3  }
0x38: {  	[tilespmem:s21], [sflag:$0x2] =	stream.indirect_vreg.gather [hbm4b:s6+s3], $0x80, v4, vm0, $0xb8;
	[tilespmem:$0x18100] =	vst v63  }
0x39: {  	_ = 	snop  }
0x3a: {  	[tilespmem:s22], [sflag:$0x2] =	stream.indirect_vreg.gather [hbm4b:s7+s3], $0x80, v4, vm0, $0xb8;
	[tilespmem:$0x18100] =	vst v63  }
0x3b: {  	_ = 	snop  }
0x3c: {  	[tilespmem:s23], [sflag:$0x2] =	stream.indirect_vreg.gather [hbm4b:s2+s3], $0x80, v3, vm0, $0xb8;
	[tilespmem:$0x18100] =	vst v63  }
0x3d: {  	_ = 	snop  }
0x3e: {  	[tilespmem:s24], [sflag:$0x2] =	stream.indirect_vreg.gather [hbm4b:s6+s3], $0x80, v3, vm0, $0xb8;
	[tilespmem:$0x18100] =	vst v63  }
0x3f: {  	_ = 	snop  }
0x40: {  	[tilespmem:s25], [sflag:$0x2] =	stream.indirect_vreg.gather [hbm4b:s7+s3], $0x80, v3, vm0, $0xb8;
	[tilespmem:$0x18100] =	vst v63  }
0x41: {  	v3 =	vld [tilespmem:$0x20];
	_ =	sdelay $0x4  }
0x42: {  	v50 =	vshrl.u32 v3, $0x3  }
0x43: {  	v4 =	vmul.u32 $0x30, v50  }
0x44: {  	v3 =	vand.u32 $0x7, v3  }
0x45: {  	v3 =	vor.u32 v3, v4  }
0x46: {  	v4 =	vperm.xlane v3, v0;
	_ =	sdelay $0x1  }
0x47: {  	v4 =	vadd.s32 v1, v4;
	_ =	sdelay $0x3  }
0x48: {  	v3 =	vperm.xlane v3, v2  }
0x49: {  	[tilespmem:s26], [sflag:$0x2] =	stream.indirect_vreg.gather [hbm4b:s2+s3], $0x80, v4, vm0, $0xb8;
	[tilespmem:$0x18100] =	vst v63  }
0x4a: {  	v3 =	vadd.s32 v1, v3  }
0x4b: {  	[tilespmem:s28], [sflag:$0x2] =	stream.indirect_vreg.gather [hbm4b:s6+s3], $0x80, v4, vm0, $0xb8;
	[tilespmem:$0x18100] =	vst v63  }
0x4c: {  	_ = 	snop  }
0x4d: {  	[tilespmem:s29], [sflag:$0x2] =	stream.indirect_vreg.gather [hbm4b:s7+s3], $0x80, v4, vm0, $0xb8;
	[tilespmem:$0x18100] =	vst v63  }
0x4e: {  	_ = 	snop  }
0x4f: {  	[tilespmem:s30], [sflag:$0x2] =	stream.indirect_vreg.gather [hbm4b:s2+s3], $0x80, v3, vm0, $0xb8;
	[tilespmem:$0x18100] =	vst v63  }
0x50: {  	_ = 	snop  }
0x51: {  	[tilespmem:s31], [sflag:$0x2] =	stream.indirect_vreg.gather [hbm4b:s6+s3], $0x80, v3, vm0, $0xb8;
	[tilespmem:$0x18100] =	vst v63  }
0x52: {  	s14 =	simm.s32 $0x8900  }
0x53: {  	[tilespmem:s14], [sflag:$0x2] =	stream.indirect_vreg.gather [hbm4b:s7+s3], $0x80, v3, vm0, $0xb8;
	[tilespmem:$0x18100] =	vst v63  }
0x54: {  	v3 =	vld [tilespmem:$0x30];
	_ =	sdelay $0x4  }
0x55: {  	v51 =	vshrl.u32 v3, $0x3  }
0x56: {  	v4 =	vmul.u32 $0x30, v51  }
0x57: {  	v3 =	vand.u32 $0x7, v3  }
0x58: {  	v3 =	vor.u32 v3, v4  }
0x59: {  	v4 =	vperm.xlane v3, v0;
	_ =	sdelay $0x1  }
0x5a: {  	v4 =	vadd.s32 v1, v4;
	_ =	sdelay $0x3  }
0x5b: {  	v3 =	vperm.xlane v3, v2  }
0x5c: {  	[tilespmem:s11], [sflag:$0x2] =	stream.indirect_vreg.gather [hbm4b:s2+s3], $0x80, v4, vm0, $0xb8;
	[tilespmem:$0x18100] =	vst v63  }
0x5d: {  	s13 =	simm.s32 $0x9900;
	v3 =	vadd.s32 v1, v3  }
0x5e: {  	[tilespmem:s13], [sflag:$0x2] =	stream.indirect_vreg.gather [hbm4b:s6+s3], $0x80, v4, vm0, $0xb8;
	[tilespmem:$0x18100] =	vst v63  }
0x5f: {  	_ = 	snop  }
0x60: {  	[tilespmem:s10], [sflag:$0x2] =	stream.indirect_vreg.gather [hbm4b:s7+s3], $0x80, v4, vm0, $0xb8;
	[tilespmem:$0x18100] =	vst v63  }
0x61: {  	_ = 	snop  }
0x62: {  	[tilespmem:s9], [sflag:$0x2] =	stream.indirect_vreg.gather [hbm4b:s2+s3], $0x80, v3, vm0, $0xb8;
	[tilespmem:$0x18100] =	vst v63  }
0x63: {  	s14 =	simm.s32 $0xB100  }
0x64: {  	[tilespmem:s14], [sflag:$0x2] =	stream.indirect_vreg.gather [hbm4b:s6+s3], $0x80, v3, vm0, $0xb8;
	[tilespmem:$0x18100] =	vst v63  }
0x65: {  	s1 =	rddreg [dreg:$0x4]  }
0x66: {  	[tilespmem:s4], [sflag:$0x2] =	stream.indirect_vreg.gather [hbm4b:s7+s3], $0x80, v3, vm0, $0xb8;
	[tilespmem:$0x18100] =	vst v63  }
0x67: {  	s14 =	rddreg [dreg:$0x8]  }
0x68: {  	[tilespmem:s14], [sflag:$0x1] =	stream.linear.gather [hbm4b:s1+s3], $0x80, $0x38;
	[tilespmem:$0x18100] =	vst v63  }
0x69: {  	_ =	swait.ge [sflag:s0], $0x80  }
0x6a: {  	[sflag:s0] =	ssyncset.done $0x0  }
0x6b: {  	[sflag:s0] =	ssyncadd.s32 $0xFFFFFF80  }
0x6c: {  	v3 =	vld [tilespmem:$0x40];
	_ =	sdelay $0x4  }
0x6d: {  	v52 =	vshrl.u32 v3, $0x3  }
0x6e: {  	v4 =	vmul.u32 $0x30, v52  }
0x6f: {  	v3 =	vand.u32 $0x7, v3  }
0x70: {  	v3 =	vor.u32 v3, v4  }
0x71: {  	v4 =	vperm.xlane v3, v0;
	_ =	sdelay $0x1  }
0x72: {  	v4 =	vadd.s32 v1, v4;
	_ =	sdelay $0x3  }
0x73: {  	s1 =	simm.s32 $0xC100;
	v3 =	vperm.xlane v3, v2  }
0x74: {  	[tilespmem:s1], [sflag:$0x2] =	stream.indirect_vreg.gather [hbm4b:s2+s3], $0x80, v4, vm0, $0xb8;
	[tilespmem:$0x18100] =	vst v63  }
0x75: {  	s14 =	simm.s32 $0xC900;
	v3 =	vadd.s32 v1, v3  }
0x76: {  	[tilespmem:s14], [sflag:$0x2] =	stream.indirect_vreg.gather [hbm4b:s6+s3], $0x80, v4, vm0, $0xb8;
	[tilespmem:$0x18100] =	vst v63  }
0x77: {  	s13 =	simm.s32 $0xD100  }
0x78: {  	[tilespmem:s13], [sflag:$0x2] =	stream.indirect_vreg.gather [hbm4b:s7+s3], $0x80, v4, vm0, $0xb8;
	[tilespmem:$0x18100] =	vst v63  }
0x79: {  	s13 =	simm.s32 $0xD900  }
0x7a: {  	[tilespmem:s13], [sflag:$0x2] =	stream.indirect_vreg.gather [hbm4b:s2+s3], $0x80, v3, vm0, $0xb8;
	[tilespmem:$0x18100] =	vst v63  }
0x7b: {  	s13 =	simm.s32 $0xE100  }
0x7c: {  	[tilespmem:s13], [sflag:$0x2] =	stream.indirect_vreg.gather [hbm4b:s6+s3], $0x80, v3, vm0, $0xb8;
	[tilespmem:$0x18100] =	vst v63  }
0x7d: {  	s13 =	simm.s32 $0xE900  }
0x7e: {  	[tilespmem:s13], [sflag:$0x2] =	stream.indirect_vreg.gather [hbm4b:s7+s3], $0x80, v3, vm0, $0xb8;
	[tilespmem:$0x18100] =	vst v63  }
0x7f: {  	v3 =	vld [tilespmem:$0x50];
	_ =	sdelay $0x4  }
0x80: {  	v53 =	vshrl.u32 v3, $0x3  }
0x81: {  	v4 =	vmul.u32 $0x30, v53  }
0x82: {  	v3 =	vand.u32 $0x7, v3  }
0x83: {  	v3 =	vor.u32 v3, v4  }
0x84: {  	v4 =	vperm.xlane v3, v0;
	_ =	sdelay $0x1  }
0x85: {  	v4 =	vadd.s32 v1, v4;
	_ =	sdelay $0x3  }
0x86: {  	s13 =	simm.s32 $0xF100;
	v3 =	vperm.xlane v3, v2  }
0x87: {  	[tilespmem:s13], [sflag:$0x2] =	stream.indirect_vreg.gather [hbm4b:s2+s3], $0x80, v4, vm0, $0xb8;
	[tilespmem:$0x18100] =	vst v63  }
0x88: {  	v3 =	vadd.s32 v1, v3;
	s13 =	simm.s32 $0xF900  }
0x89: {  	[tilespmem:s13], [sflag:$0x2] =	stream.indirect_vreg.gather [hbm4b:s6+s3], $0x80, v4, vm0, $0xb8;
	[tilespmem:$0x18100] =	vst v63  }
0x8a: {  	s13 =	simm.s32 $0x10100  }
0x8b: {  	[tilespmem:s13], [sflag:$0x2] =	stream.indirect_vreg.gather [hbm4b:s7+s3], $0x80, v4, vm0, $0xb8;
	[tilespmem:$0x18100] =	vst v63  }
0x8c: {  	s13 =	simm.s32 $0x10900  }
0x8d: {  	[tilespmem:s13], [sflag:$0x2] =	stream.indirect_vreg.gather [hbm4b:s2+s3], $0x80, v3, vm0, $0xb8;
	[tilespmem:$0x18100] =	vst v63  }
0x8e: {  	s13 =	simm.s32 $0x11100  }
0x8f: {  	[tilespmem:s13], [sflag:$0x2] =	stream.indirect_vreg.gather [hbm4b:s6+s3], $0x80, v3, vm0, $0xb8;
	[tilespmem:$0x18100] =	vst v63  }
0x90: {  	s13 =	simm.s32 $0x11900  }
0x91: {  	[tilespmem:s13], [sflag:$0x2] =	stream.indirect_vreg.gather [hbm4b:s7+s3], $0x80, v3, vm0, $0xb8;
	[tilespmem:$0x18100] =	vst v63  }
0x92: {  	v3 =	vld [tilespmem:$0x60];
	_ =	sdelay $0x4  }
0x93: {  	v54 =	vshrl.u32 v3, $0x3  }
0x94: {  	v4 =	vmul.u32 $0x30, v54  }
0x95: {  	v3 =	vand.u32 $0x7, v3  }
0x96: {  	v3 =	vor.u32 v3, v4  }
0x97: {  	v4 =	vperm.xlane v3, v0;
	_ =	sdelay $0x1  }
0x98: {  	v4 =	vadd.s32 v1, v4;
	_ =	sdelay $0x3  }
0x99: {  	s13 =	simm.s32 $0x12100;
	v3 =	vperm.xlane v3, v2  }
0x9a: {  	[tilespmem:s13], [sflag:$0x2] =	stream.indirect_vreg.gather [hbm4b:s2+s3], $0x80, v4, vm0, $0xb8;
	[tilespmem:$0x18100] =	vst v63  }
0x9b: {  	v3 =	vadd.s32 v1, v3;
	s13 =	simm.s32 $0x12900  }
0x9c: {  	[tilespmem:s13], [sflag:$0x2] =	stream.indirect_vreg.gather [hbm4b:s6+s3], $0x80, v4, vm0, $0xb8;
	[tilespmem:$0x18100] =	vst v63  }
0x9d: {  	s13 =	simm.s32 $0x13100  }
0x9e: {  	[tilespmem:s13], [sflag:$0x2] =	stream.indirect_vreg.gather [hbm4b:s7+s3], $0x80, v4, vm0, $0xb8;
	[tilespmem:$0x18100] =	vst v63  }
0x9f: {  	s13 =	simm.s32 $0x13900  }
0xa0: {  	[tilespmem:s13], [sflag:$0x2] =	stream.indirect_vreg.gather [hbm4b:s2+s3], $0x80, v3, vm0, $0xb8;
	[tilespmem:$0x18100] =	vst v63  }
0xa1: {  	s13 =	simm.s32 $0x14100  }
0xa2: {  	[tilespmem:s13], [sflag:$0x2] =	stream.indirect_vreg.gather [hbm4b:s6+s3], $0x80, v3, vm0, $0xb8;
	[tilespmem:$0x18100] =	vst v63  }
0xa3: {  	s13 =	simm.s32 $0x14900  }
0xa4: {  	[tilespmem:s13], [sflag:$0x2] =	stream.indirect_vreg.gather [hbm4b:s7+s3], $0x80, v3, vm0, $0xb8;
	[tilespmem:$0x18100] =	vst v63  }
0xa5: {  	v3 =	vld [tilespmem:$0x70];
	_ =	sdelay $0x4  }
0xa6: {  	v55 =	vshrl.u32 v3, $0x3  }
0xa7: {  	v4 =	vmul.u32 $0x30, v55  }
0xa8: {  	v3 =	vand.u32 $0x7, v3  }
0xa9: {  	v3 =	vor.u32 v3, v4  }
0xaa: {  	v4 =	vperm.xlane v3, v0;
	_ =	sdelay $0x1  }
0xab: {  	v4 =	vadd.s32 v1, v4;
	_ =	sdelay $0x3  }
0xac: {  	s13 =	simm.s32 $0x15100;
	v3 =	vperm.xlane v3, v2  }
0xad: {  	[tilespmem:s13], [sflag:$0x2] =	stream.indirect_vreg.gather [hbm4b:s2+s3], $0x80, v4, vm0, $0xb8;
	[tilespmem:$0x18100] =	vst v63  }
0xae: {  	v3 =	vadd.s32 v1, v3;
	s13 =	simm.s32 $0x15900  }
0xaf: {  	[tilespmem:s13], [sflag:$0x2] =	stream.indirect_vreg.gather [hbm4b:s6+s3], $0x80, v4, vm0, $0xb8;
	[tilespmem:$0x18100] =	vst v63  }
0xb0: {  	s13 =	simm.s32 $0x16100  }
0xb1: {  	[tilespmem:s13], [sflag:$0x2] =	stream.indirect_vreg.gather [hbm4b:s7+s3], $0x80, v4, vm0, $0xb8;
	[tilespmem:$0x18100] =	vst v63  }
0xb2: {  	s13 =	simm.s32 $0x16900  }
0xb3: {  	[tilespmem:s13], [sflag:$0x2] =	stream.indirect_vreg.gather [hbm4b:s2+s3], $0x80, v3, vm0, $0xb8;
	[tilespmem:$0x18100] =	vst v63  }
0xb4: {  	s13 =	simm.s32 $0x17100  }
0xb5: {  	[tilespmem:s13], [sflag:$0x2] =	stream.indirect_vreg.gather [hbm4b:s6+s3], $0x80, v3, vm0, $0xb8;
	[tilespmem:$0x18100] =	vst v63  }
0xb6: {  	s13 =	simm.s32 $0x17900  }
0xb7: {  	[tilespmem:s13], [sflag:$0x2] =	stream.indirect_vreg.gather [hbm4b:s7+s3], $0x80, v3, vm0, $0xb8;
	[tilespmem:$0x18100] =	vst v63  }
0xb8: {  	_ =	swait.ge [sflag:s12], $0x3000  }
0xb9: {  	[sflag:s12] =	ssyncset.done $0x0  }
0xba: {  	[sflag:s12] =	ssyncadd.s32 $0xFFFFD000  }
0xbb: {  	_ =	swait.ge [sflag:s12], $0x3000  }
0xbc: {  	[sflag:s12] =	ssyncset.done $0x0  }
0xbd: {  	[sflag:s12] =	ssyncadd.s32 $0xFFFFD000  }
0xbe: {  	_ =	swait.ge [sflag:s12], $0x3000  }
0xbf: {  	[sflag:s12] =	ssyncset.done $0x0  }
0xc0: {  	[sflag:s12] =	ssyncadd.s32 $0xFFFFD000  }
0xc1: {  	_ =	swait.ge [sflag:s12], $0x3000  }
0xc2: {  	[sflag:s12] =	ssyncset.done $0x0  }
0xc3: {  	s0 =	simm.s32 $0x100;
	s13 =	rddreg [dreg:$0xa];
	[sflag:s12] =	ssyncadd.s32 $0xFFFFD000  }
0xc4: {  	[hbm4b:s13+s3] =	stream.linear.scatter [tilespmem:s0], [sflag:$0x3], $0xC000, $0x38;
	[tilespmem:$0x18100] =	vst v63  }
0xc5: {  	_ =	swait.ge [sflag:s5], $0xC000  }
0xc6: {  	[sflag:s5] =	ssyncset.done $0x0  }
0xc7: {  	[sflag:s5] =	ssyncadd.s32 $0xFFFF4000  }
0xc8: {  	v3 =	vld [tilespmem:$0x80];
	_ =	sdelay $0x4  }
0xc9: {  	v56 =	vshrl.u32 v3, $0x3  }
0xca: {  	v4 =	vmul.u32 $0x30, v56  }
0xcb: {  	v3 =	vand.u32 $0x7, v3  }
0xcc: {  	v3 =	vor.u32 v3, v4  }
0xcd: {  	v4 =	vperm.xlane v3, v0;
	_ =	sdelay $0x1  }
0xce: {  	v4 =	vadd.s32 v1, v4;
	_ =	sdelay $0x3  }
0xcf: {  	v3 =	vperm.xlane v3, v2  }
0xd0: {  	[tilespmem:s0], [sflag:$0x2] =	stream.indirect_vreg.gather [hbm4b:s2+s3], $0x80, v4, vm0, $0xb8;
	[tilespmem:$0x18100] =	vst v63  }
0xd1: {  	v3 =	vadd.s32 v1, v3  }
0xd2: {  	[tilespmem:s15], [sflag:$0x2] =	stream.indirect_vreg.gather [hbm4b:s6+s3], $0x80, v4, vm0, $0xb8;
	[tilespmem:$0x18100] =	vst v63  }
0xd3: {  	_ = 	snop  }
0xd4: {  	[tilespmem:s16], [sflag:$0x2] =	stream.indirect_vreg.gather [hbm4b:s7+s3], $0x80, v4, vm0, $0xb8;
	[tilespmem:$0x18100] =	vst v63  }
0xd5: {  	_ = 	snop  }
0xd6: {  	[tilespmem:s17], [sflag:$0x2] =	stream.indirect_vreg.gather [hbm4b:s2+s3], $0x80, v3, vm0, $0xb8;
	[tilespmem:$0x18100] =	vst v63  }
0xd7: {  	_ = 	snop  }
0xd8: {  	[tilespmem:s18], [sflag:$0x2] =	stream.indirect_vreg.gather [hbm4b:s6+s3], $0x80, v3, vm0, $0xb8;
	[tilespmem:$0x18100] =	vst v63  }
0xd9: {  	_ = 	snop  }
0xda: {  	[tilespmem:s19], [sflag:$0x2] =	stream.indirect_vreg.gather [hbm4b:s7+s3], $0x80, v3, vm0, $0xb8;
	[tilespmem:$0x18100] =	vst v63  }
0xdb: {  	v3 =	vld [tilespmem:$0x90];
	_ =	sdelay $0x4  }
0xdc: {  	v57 =	vshrl.u32 v3, $0x3  }
0xdd: {  	v4 =	vmul.u32 $0x30, v57  }
0xde: {  	v3 =	vand.u32 $0x7, v3  }
0xdf: {  	v3 =	vor.u32 v3, v4  }
0xe0: {  	v4 =	vperm.xlane v3, v0;
	_ =	sdelay $0x1  }
0xe1: {  	v4 =	vadd.s32 v1, v4;
	_ =	sdelay $0x3  }
0xe2: {  	v3 =	vperm.xlane v3, v2  }
0xe3: {  	[tilespmem:s20], [sflag:$0x2] =	stream.indirect_vreg.gather [hbm4b:s2+s3], $0x80, v4, vm0, $0xb8;
	[tilespmem:$0x18100] =	vst v63  }
0xe4: {  	v3 =	vadd.s32 v1, v3  }
0xe5: {  	[tilespmem:s21], [sflag:$0x2] =	stream.indirect_vreg.gather [hbm4b:s6+s3], $0x80, v4, vm0, $0xb8;
	[tilespmem:$0x18100] =	vst v63  }
0xe6: {  	_ = 	snop  }
0xe7: {  	[tilespmem:s22], [sflag:$0x2] =	stream.indirect_vreg.gather [hbm4b:s7+s3], $0x80, v4, vm0, $0xb8;
	[tilespmem:$0x18100] =	vst v63  }
0xe8: {  	_ = 	snop  }
0xe9: {  	[tilespmem:s23], [sflag:$0x2] =	stream.indirect_vreg.gather [hbm4b:s2+s3], $0x80, v3, vm0, $0xb8;
	[tilespmem:$0x18100] =	vst v63  }
0xea: {  	_ = 	snop  }
0xeb: {  	[tilespmem:s24], [sflag:$0x2] =	stream.indirect_vreg.gather [hbm4b:s6+s3], $0x80, v3, vm0, $0xb8;
	[tilespmem:$0x18100] =	vst v63  }
0xec: {  	_ = 	snop  }
0xed: {  	[tilespmem:s25], [sflag:$0x2] =	stream.indirect_vreg.gather [hbm4b:s7+s3], $0x80, v3, vm0, $0xb8;
	[tilespmem:$0x18100] =	vst v63  }
0xee: {  	v3 =	vld [tilespmem:$0xA0];
	_ =	sdelay $0x4  }
0xef: {  	v58 =	vshrl.u32 v3, $0x3  }
0xf0: {  	v4 =	vmul.u32 $0x30, v58  }
0xf1: {  	v3 =	vand.u32 $0x7, v3  }
0xf2: {  	v3 =	vor.u32 v3, v4  }
0xf3: {  	v4 =	vperm.xlane v3, v0;
	_ =	sdelay $0x1  }
0xf4: {  	v4 =	vadd.s32 v1, v4;
	_ =	sdelay $0x3  }
0xf5: {  	v3 =	vperm.xlane v3, v2  }
0xf6: {  	[tilespmem:s26], [sflag:$0x2] =	stream.indirect_vreg.gather [hbm4b:s2+s3], $0x80, v4, vm0, $0xb8;
	[tilespmem:$0x18100] =	vst v63  }
0xf7: {  	v3 =	vadd.s32 v1, v3  }
0xf8: {  	[tilespmem:s28], [sflag:$0x2] =	stream.indirect_vreg.gather [hbm4b:s6+s3], $0x80, v4, vm0, $0xb8;
	[tilespmem:$0x18100] =	vst v63  }
0xf9: {  	_ = 	snop  }
0xfa: {  	[tilespmem:s29], [sflag:$0x2] =	stream.indirect_vreg.gather [hbm4b:s7+s3], $0x80, v4, vm0, $0xb8;
	[tilespmem:$0x18100] =	vst v63  }
0xfb: {  	_ = 	snop  }
0xfc: {  	[tilespmem:s30], [sflag:$0x2] =	stream.indirect_vreg.gather [hbm4b:s2+s3], $0x80, v3, vm0, $0xb8;
	[tilespmem:$0x18100] =	vst v63  }
0xfd: {  	_ = 	snop  }
0xfe: {  	[tilespmem:s31], [sflag:$0x2] =	stream.indirect_vreg.gather [hbm4b:s6+s3], $0x80, v3, vm0, $0xb8;
	[tilespmem:$0x18100] =	vst v63  }
0xff: {  	s13 =	simm.s32 $0x8900  }
0x100: {  	[tilespmem:s13], [sflag:$0x2] =	stream.indirect_vreg.gather [hbm4b:s7+s3], $0x80, v3, vm0, $0xb8;
	[tilespmem:$0x18100] =	vst v63  }
0x101: {  	v3 =	vld [tilespmem:$0xB0];
	_ =	sdelay $0x4  }
0x102: {  	v59 =	vshrl.u32 v3, $0x3  }
0x103: {  	v4 =	vmul.u32 $0x30, v59  }
0x104: {  	v3 =	vand.u32 $0x7, v3  }
0x105: {  	v3 =	vor.u32 v3, v4  }
0x106: {  	v4 =	vperm.xlane v3, v0;
	_ =	sdelay $0x1  }
0x107: {  	v4 =	vadd.s32 v1, v4;
	_ =	sdelay $0x3  }
0x108: {  	v3 =	vperm.xlane v3, v2  }
0x109: {  	[tilespmem:s11], [sflag:$0x2] =	stream.indirect_vreg.gather [hbm4b:s2+s3], $0x80, v4, vm0, $0xb8;
	[tilespmem:$0x18100] =	vst v63  }
0x10a: {  	s13 =	simm.s32 $0x9900;
	v3 =	vadd.s32 v1, v3  }
0x10b: {  	[tilespmem:s13], [sflag:$0x2] =	stream.indirect_vreg.gather [hbm4b:s6+s3], $0x80, v4, vm0, $0xb8;
	[tilespmem:$0x18100] =	vst v63  }
0x10c: {  	_ = 	snop  }
0x10d: {  	[tilespmem:s10], [sflag:$0x2] =	stream.indirect_vreg.gather [hbm4b:s7+s3], $0x80, v4, vm0, $0xb8;
	[tilespmem:$0x18100] =	vst v63  }
0x10e: {  	_ = 	snop  }
0x10f: {  	[tilespmem:s9], [sflag:$0x2] =	stream.indirect_vreg.gather [hbm4b:s2+s3], $0x80, v3, vm0, $0xb8;
	[tilespmem:$0x18100] =	vst v63  }
0x110: {  	s13 =	simm.s32 $0xB100  }
0x111: {  	[tilespmem:s13], [sflag:$0x2] =	stream.indirect_vreg.gather [hbm4b:s6+s3], $0x80, v3, vm0, $0xb8;
	[tilespmem:$0x18100] =	vst v63  }
0x112: {  	_ = 	snop  }
0x113: {  	[tilespmem:s4], [sflag:$0x2] =	stream.indirect_vreg.gather [hbm4b:s7+s3], $0x80, v3, vm0, $0xb8;
	[tilespmem:$0x18100] =	vst v63  }
0x114: {  	_ =	swait.ge [sflag:s12], $0x3000  }
0x115: {  	[sflag:s12] =	ssyncset.done $0x0  }
0x116: {  	[sflag:s12] =	ssyncadd.s32 $0xFFFFD000  }
0x117: {  	_ =	swait.ge [sflag:s12], $0x3000  }
0x118: {  	[sflag:s12] =	ssyncset.done $0x0  }
0x119: {  	[sflag:s12] =	ssyncadd.s32 $0xFFFFD000  }
0x11a: {  	_ =	swait.ge [sflag:s12], $0x3000  }
0x11b: {  	[sflag:s12] =	ssyncset.done $0x0  }
0x11c: {  	[sflag:s12] =	ssyncadd.s32 $0xFFFFD000  }
0x11d: {  	_ =	swait.ge [sflag:s12], $0x3000  }
0x11e: {  	[sflag:s12] =	ssyncset.done $0x0  }
0x11f: {  	s0 =	rddreg [dreg:$0x5];
	[sflag:s12] =	ssyncadd.s32 $0xFFFFD000  }
0x120: {  	[hbm4b:s0+s3] =	stream.linear.scatter [tilespmem:s1], [sflag:$0x3], $0xC000, $0x38;
	[tilespmem:$0x18100] =	vst v63  }
0x121: {  	_ =	swait.ge [sflag:s5], $0xC000  }
0x122: {  	[sflag:s5] =	ssyncset.done $0x0  }
0x123: {  	[sflag:s5] =	ssyncadd.s32 $0xFFFF4000  }
0x124: {  	v3 =	vld [tilespmem:$0xC0];
	_ =	sdelay $0x4  }
0x125: {  	v60 =	vshrl.u32 v3, $0x3  }
0x126: {  	v4 =	vmul.u32 $0x30, v60  }
0x127: {  	v3 =	vand.u32 $0x7, v3  }
0x128: {  	v3 =	vor.u32 v3, v4  }
0x129: {  	v4 =	vperm.xlane v3, v0;
	_ =	sdelay $0x1  }
0x12a: {  	v4 =	vadd.s32 v1, v4;
	_ =	sdelay $0x3  }
0x12b: {  	v3 =	vperm.xlane v3, v2  }
0x12c: {  	[tilespmem:s1], [sflag:$0x2] =	stream.indirect_vreg.gather [hbm4b:s2+s3], $0x80, v4, vm0, $0xb8;
	[tilespmem:$0x18100] =	vst v63  }
0x12d: {  	v3 =	vadd.s32 v1, v3  }
0x12e: {  	[tilespmem:s14], [sflag:$0x2] =	stream.indirect_vreg.gather [hbm4b:s6+s3], $0x80, v4, vm0, $0xb8;
	[tilespmem:$0x18100] =	vst v63  }
0x12f: {  	s13 =	simm.s32 $0xD100  }
0x130: {  	[tilespmem:s13], [sflag:$0x2] =	stream.indirect_vreg.gather [hbm4b:s7+s3], $0x80, v4, vm0, $0xb8;
	[tilespmem:$0x18100] =	vst v63  }
0x131: {  	s14 =	simm.s32 $0xD900  }
0x132: {  	[tilespmem:s14], [sflag:$0x2] =	stream.indirect_vreg.gather [hbm4b:s2+s3], $0x80, v3, vm0, $0xb8;
	[tilespmem:$0x18100] =	vst v63  }
0x133: {  	s13 =	simm.s32 $0xE100  }
0x134: {  	[tilespmem:s13], [sflag:$0x2] =	stream.indirect_vreg.gather [hbm4b:s6+s3], $0x80, v3, vm0, $0xb8;
	[tilespmem:$0x18100] =	vst v63  }
0x135: {  	s14 =	simm.s32 $0xE900  }
0x136: {  	[tilespmem:s14], [sflag:$0x2] =	stream.indirect_vreg.gather [hbm4b:s7+s3], $0x80, v3, vm0, $0xb8;
	[tilespmem:$0x18100] =	vst v63  }
0x137: {  	v3 =	vld [tilespmem:$0xD0];
	_ =	sdelay $0x4  }
0x138: {  	v61 =	vshrl.u32 v3, $0x3  }
0x139: {  	v4 =	vmul.u32 $0x30, v61  }
0x13a: {  	v3 =	vand.u32 $0x7, v3  }
0x13b: {  	v3 =	vor.u32 v3, v4  }
0x13c: {  	v4 =	vperm.xlane v3, v0;
	_ =	sdelay $0x1  }
0x13d: {  	v4 =	vadd.s32 v1, v4;
	_ =	sdelay $0x3  }
0x13e: {  	s13 =	simm.s32 $0xF100;
	v3 =	vperm.xlane v3, v2  }
0x13f: {  	[tilespmem:s13], [sflag:$0x2] =	stream.indirect_vreg.gather [hbm4b:s2+s3], $0x80, v4, vm0, $0xb8;
	[tilespmem:$0x18100] =	vst v63  }
0x140: {  	s14 =	simm.s32 $0xF900;
	v3 =	vadd.s32 v1, v3  }
0x141: {  	[tilespmem:s14], [sflag:$0x2] =	stream.indirect_vreg.gather [hbm4b:s6+s3], $0x80, v4, vm0, $0xb8;
	[tilespmem:$0x18100] =	vst v63  }
0x142: {  	s13 =	simm.s32 $0x10100  }
0x143: {  	[tilespmem:s13], [sflag:$0x2] =	stream.indirect_vreg.gather [hbm4b:s7+s3], $0x80, v4, vm0, $0xb8;
	[tilespmem:$0x18100] =	vst v63  }
0x144: {  	s14 =	simm.s32 $0x10900  }
0x145: {  	[tilespmem:s14], [sflag:$0x2] =	stream.indirect_vreg.gather [hbm4b:s2+s3], $0x80, v3, vm0, $0xb8;
	[tilespmem:$0x18100] =	vst v63  }
0x146: {  	s13 =	simm.s32 $0x11100  }
0x147: {  	[tilespmem:s13], [sflag:$0x2] =	stream.indirect_vreg.gather [hbm4b:s6+s3], $0x80, v3, vm0, $0xb8;
	[tilespmem:$0x18100] =	vst v63  }
0x148: {  	s14 =	simm.s32 $0x11900  }
0x149: {  	[tilespmem:s14], [sflag:$0x2] =	stream.indirect_vreg.gather [hbm4b:s7+s3], $0x80, v3, vm0, $0xb8;
	[tilespmem:$0x18100] =	vst v63  }
0x14a: {  	v3 =	vld [tilespmem:$0xE0];
	_ =	sdelay $0x4  }
0x14b: {  	v62 =	vshrl.u32 v3, $0x3  }
0x14c: {  	v4 =	vmul.u32 $0x30, v62  }
0x14d: {  	v3 =	vand.u32 $0x7, v3  }
0x14e: {  	v3 =	vor.u32 v3, v4  }
0x14f: {  	v4 =	vperm.xlane v3, v0;
	_ =	sdelay $0x1  }
0x150: {  	v4 =	vadd.s32 v1, v4;
	_ =	sdelay $0x3  }
0x151: {  	s13 =	simm.s32 $0x12100;
	v3 =	vperm.xlane v3, v2  }
0x152: {  	[tilespmem:s13], [sflag:$0x2] =	stream.indirect_vreg.gather [hbm4b:s2+s3], $0x80, v4, vm0, $0xb8;
	[tilespmem:$0x18100] =	vst v63  }
0x153: {  	s14 =	simm.s32 $0x12900;
	v3 =	vadd.s32 v1, v3  }
0x154: {  	[tilespmem:s14], [sflag:$0x2] =	stream.indirect_vreg.gather [hbm4b:s6+s3], $0x80, v4, vm0, $0xb8;
	[tilespmem:$0x18100] =	vst v63  }
0x155: {  	s13 =	simm.s32 $0x13100  }
0x156: {  	[tilespmem:s13], [sflag:$0x2] =	stream.indirect_vreg.gather [hbm4b:s7+s3], $0x80, v4, vm0, $0xb8;
	[tilespmem:$0x18100] =	vst v63  }
0x157: {  	s14 =	simm.s32 $0x13900  }
0x158: {  	[tilespmem:s14], [sflag:$0x2] =	stream.indirect_vreg.gather [hbm4b:s2+s3], $0x80, v3, vm0, $0xb8;
	[tilespmem:$0x18100] =	vst v63  }
0x159: {  	s13 =	simm.s32 $0x14100  }
0x15a: {  	[tilespmem:s13], [sflag:$0x2] =	stream.indirect_vreg.gather [hbm4b:s6+s3], $0x80, v3, vm0, $0xb8;
	[tilespmem:$0x18100] =	vst v63  }
0x15b: {  	s14 =	simm.s32 $0x14900  }
0x15c: {  	[tilespmem:s14], [sflag:$0x2] =	stream.indirect_vreg.gather [hbm4b:s7+s3], $0x80, v3, vm0, $0xb8;
	[tilespmem:$0x18100] =	vst v63  }
0x15d: {  	v3 =	vld [tilespmem:$0xF0];
	_ =	sdelay $0x4  }
0x15e: {  	v63 =	vshrl.u32 v3, $0x3  }
0x15f: {  	v4 =	vmul.u32 $0x30, v63  }
0x160: {  	v3 =	vand.u32 $0x7, v3  }
0x161: {  	v3 =	vor.u32 v3, v4  }
0x162: {  	v4 =	vperm.xlane v3, v0;
	_ =	sdelay $0x1  }
0x163: {  	v4 =	vadd.s32 v1, v4;
	_ =	sdelay $0x3  }
0x164: {  	s13 =	simm.s32 $0x15100;
	v3 =	vperm.xlane v3, v2  }
0x165: {  	[tilespmem:s13], [sflag:$0x2] =	stream.indirect_vreg.gather [hbm4b:s2+s3], $0x80, v4, vm0, $0xb8;
	[tilespmem:$0x18100] =	vst v63  }
0x166: {  	s14 =	simm.s32 $0x15900;
	v3 =	vadd.s32 v1, v3  }
0x167: {  	[tilespmem:s14], [sflag:$0x2] =	stream.indirect_vreg.gather [hbm4b:s6+s3], $0x80, v4, vm0, $0xb8;
	[tilespmem:$0x18100] =	vst v63  }
0x168: {  	s13 =	simm.s32 $0x16100  }
0x169: {  	[tilespmem:s13], [sflag:$0x2] =	stream.indirect_vreg.gather [hbm4b:s7+s3], $0x80, v4, vm0, $0xb8;
	[tilespmem:$0x18100] =	vst v63  }
0x16a: {  	s14 =	simm.s32 $0x16900  }
0x16b: {  	[tilespmem:s14], [sflag:$0x2] =	stream.indirect_vreg.gather [hbm4b:s2+s3], $0x80, v3, vm0, $0xb8;
	[tilespmem:$0x18100] =	vst v63  }
0x16c: {  	s13 =	simm.s32 $0x17100  }
0x16d: {  	[tilespmem:s13], [sflag:$0x2] =	stream.indirect_vreg.gather [hbm4b:s6+s3], $0x80, v3, vm0, $0xb8;
	[tilespmem:$0x18100] =	vst v63  }
0x16e: {  	s14 =	simm.s32 $0x17900  }
0x16f: {  	[tilespmem:s14], [sflag:$0x2] =	stream.indirect_vreg.gather [hbm4b:s7+s3], $0x80, v3, vm0, $0xb8;
	[tilespmem:$0x18100] =	vst v63  }
0x170: {  	_ =	swait.ge [sflag:s12], $0x3000  }
0x171: {  	[sflag:s12] =	ssyncset.done $0x0  }
0x172: {  	[sflag:s12] =	ssyncadd.s32 $0xFFFFD000  }
0x173: {  	_ =	swait.ge [sflag:s12], $0x3000  }
0x174: {  	[sflag:s12] =	ssyncset.done $0x0  }
0x175: {  	[sflag:s12] =	ssyncadd.s32 $0xFFFFD000  }
0x176: {  	_ =	swait.ge [sflag:s12], $0x3000  }
0x177: {  	[sflag:s12] =	ssyncset.done $0x0  }
0x178: {  	[sflag:s12] =	ssyncadd.s32 $0xFFFFD000  }
0x179: {  	_ =	swait.ge [sflag:s12], $0x3000  }
0x17a: {  	[sflag:s12] =	ssyncset.done $0x0  }
0x17b: {  	s14 =	simm.s32 $0x100;
	s0 =	rddreg [dreg:$0x6];
	[sflag:s12] =	ssyncadd.s32 $0xFFFFD000  }
0x17c: {  	[hbm4b:s0+s3] =	stream.linear.scatter [tilespmem:s14], [sflag:$0x3], $0xC000, $0x38;
	[tilespmem:$0x18100] =	vst v63  }
0x17d: {  	_ =	swait.ge [sflag:s12], $0x3000  }
0x17e: {  	[sflag:s12] =	ssyncset.done $0x0  }
0x17f: {  	[sflag:s12] =	ssyncadd.s32 $0xFFFFD000  }
0x180: {  	_ =	swait.ge [sflag:s12], $0x3000  }
0x181: {  	[sflag:s12] =	ssyncset.done $0x0  }
0x182: {  	[sflag:s12] =	ssyncadd.s32 $0xFFFFD000  }
0x183: {  	_ =	swait.ge [sflag:s12], $0x3000  }
0x184: {  	[sflag:s12] =	ssyncset.done $0x0  }
0x185: {  	[sflag:s12] =	ssyncadd.s32 $0xFFFFD000  }
0x186: {  	_ =	swait.ge [sflag:s12], $0x3000  }
0x187: {  	[sflag:s12] =	ssyncset.done $0x0  }
0x188: {  	s14 =	rddreg [dreg:$0x7];
	[sflag:s12] =	ssyncadd.s32 $0xFFFFD000  }
0x189: {  	[hbm4b:s14+s3] =	stream.linear.scatter [tilespmem:s1], [sflag:$0x3], $0xC000, $0x38;
	[tilespmem:$0x18100] =	vst v63  }
0x18a: {  	p0 =	sne.s32 s8, $0x1;
	_ =	swait.ge [sflag:s5], $0xC000  }
.Ltmp0:
0x18b: {  	[sflag:s5] =	ssyncset.done $0x0;
	(pc) =	sbr.rel @p0 .LBB2_1-.Ltmp0, $4  }
0x18c: {  	[sflag:s5] =	ssyncadd.s32 $0xFFFF4000  }
0x18d: {  	_ =	swait.ge [sflag:s5], $0xC000  }
0x18e: {  	[sflag:s5] =	ssyncset.done $0x0  }
0x18f: {  	s8 =	sadd.s32 $0xFFFFFFFF, s8;
	[sflag:s5] =	ssyncadd.s32 $0xFFFF4000  }
0x190: {  	_ =	sfence.sel $0x180000  }
0x191: {  	[bflag:$0x0] =	sbarrier.arrive $0xFFFF  }
0x192: {  	_ =	strace $0x90000047  }
0x193: {  	s0 =	stileid.u32;
	[bflag:$0x2] =	sbarrier.arrive $0xFFFF  }
0x194: {  	p0 =	sne.s32 s0, $0x0;
	s0 =	rddreg [dreg:$0x3]  }
0x195: {  	s0 =	sadd.s32 @!p0 $0x100000, s0  }
0x196: {  	[sflag:s0] =	ssyncadd.tile.s32 @!p0 $0x1;
	_ =	shalt  }
.Lfunc_end2:
_tile_overlayer_lowered:
.L_overlay_start_2:
0x197: {  	(tag) =	ssettag $0x2  }
0x198: {  	s0 =	rddreg [dreg:$0x0];
	s2 =	stileid.u32  }
0x199: {  	s1 =	rddreg [dreg:$0x1];
	p0 =	sne.s32 s2, $0x0  }
0x19a: {  	s3 =	rddreg [dreg:$0x2];
	[bflag:$0x3] =	sbarrier.arrive $0xFFFF;
	s2 =	simm.s32 @!p0 $0x1C04  }
0x19b: {  	[timem:s3], [sflag:s2] =	dma.local @!p0 [hbm:s0], s1  }
0x19c: {  	s0 =	simm.s32 @!p0 $0x4  }
0x19d: {  	_ =	swait.ge @!p0 [sflag:s0], s1  }
0x19e: {  	s1 =	ssub.s32 @!p0 $0x0, s1;
	[sflag:s0] =	ssyncset.done @!p0 $0x0  }
0x19f: {  	[sflag:s0] =	ssyncadd.s32 @!p0 s1  }
0x1a0: {  	[bflag:$0x3] =	sbarrier.arrive $0xFFFF  }
0x1a1: {  	_ =	shalt  }

</sc_bundles>
